<compile_context>
chip_gen: v7x
topology: tpu7x:2x2x1
jax: 0.10.2.dev20260603
libtpu: 0.0.44.dev20260713+nightly
codegen_flags: <defaults>
</compile_context>

<pallas_src>
import functools

import jax
import jax.numpy as jnp
from jax import lax
from jax.experimental import pallas as pl
from jax.experimental.pallas import tpu as pltpu
from jax.experimental.pallas import tpu_sc as plsc

D = 64
B_TOTAL = 16384 * 50

_info = plsc.get_sparse_core_info()
_NC, _NS = _info.num_cores, _info.num_subcores
NW = _NC * _NS
PER_W = B_TOTAL // NW
CHUNK = 320
NB = 4
N_CHUNKS = PER_W // CHUNK
assert N_CHUNKS % NB == 0 and N_CHUNKS >= 2 * NB


def _make_kernel():
  mesh = plsc.VectorSubcoreMesh(core_axis_name="c", subcore_axis_name="s")

  @functools.partial(
      pl.kernel,
      mesh=mesh,
      out_type=jax.ShapeDtypeStruct((B_TOTAL, D), jnp.float32),
      scratch_types=[
          pltpu.VMEM((PER_W,), jnp.int32),
          pltpu.VMEM((NB, CHUNK, D), jnp.float32),
          pltpu.SemaphoreType.DMA,
          pltpu.SemaphoreType.DMA,
          pltpu.SemaphoreType.DMA,
          pltpu.SemaphoreType.DMA,
          pltpu.SemaphoreType.DMA,
          pltpu.SemaphoreType.DMA,
          pltpu.SemaphoreType.DMA,
          pltpu.SemaphoreType.DMA,
      ],
      compiler_params=pltpu.CompilerParams(use_tc_tiling_on_sc=False),
  )
  def emb(idx_hbm, table_hbm, out_hbm, idx_v, rows_v,
          g0, g1, g2, g3, s0, s1, s2, s3):
    wid = lax.axis_index("s") * _NC + lax.axis_index("c")
    w_base = wid * PER_W
    pltpu.sync_copy(idx_hbm.at[pl.ds(w_base, PER_W)], idx_v)

    sem_g = (g0, g1, g2, g3)
    sem_s = (s0, s1, s2, s3)

    def gather(i, b):
      return pltpu.make_async_copy(
          table_hbm.at[idx_v.at[pl.ds(i * CHUNK, CHUNK)]],
          rows_v.at[b],
          sem_g[b],
      )

    def store(i, b):
      return pltpu.make_async_copy(
          rows_v.at[b],
          out_hbm.at[pl.ds(w_base + i * CHUNK, CHUNK)],
          sem_s[b],
      )

    gather(0, 0).start()
    gather(1, 1).start()
    gather(0, 0).wait()
    store(0, 0).start()
    gather(2, 2).start()
    gather(1, 1).wait()
    store(1, 1).start()
    gather(3, 3).start()

    def group(grp, carry):
      i0 = 2 + NB * grp
      for j in range(NB):
        i = i0 + j
        b = (2 + j) % NB
        gather(i, b).wait()
        store(i, b).start()
        store(i + 2 - NB, (b + 2) % NB).wait()
        gather(i + 2, (b + 2) % NB).start()
      return carry

    lax.fori_loop(0, (N_CHUNKS - NB) // NB, group, 0)

    for i in range(N_CHUNKS - NB + 2, N_CHUNKS):
      b = i % NB
      gather(i, b).wait()
      store(i, b).start()
    for i in range(N_CHUNKS - NB, N_CHUNKS):
      store(i, i % NB).wait()

  return emb


_emb = _make_kernel()


@jax.jit
def kernel(token_ids, weight):
  idx = token_ids.reshape(-1).astype(jnp.int32)
  out = _emb(idx, weight)
  return out.reshape(token_ids.shape[0], token_ids.shape[1], D)

# --- scband reference (transcript-rebuilt; emitter-appended) ---
"""Pipeline reference for scband-embedding-87746181857898 (READ-ONLY COPY).

The authoritative reference and input builder live on the scoring server;
editing this copy changes nothing except your own understanding.
"""

import jax, jax.numpy as jnp
import numpy as np

VOCAB_SIZE = 1000000
D_MODEL = 64
BATCH = 16384
HIST = 50

def setup_inputs(seed: int = 0) -> dict:
    key = jax.random.key(seed)
    k_idx, k_w = jax.random.split(key)
    token_ids = jax.random.randint(k_idx, (BATCH, HIST), 0, VOCAB_SIZE, dtype=jnp.int64 if jax.config.jax_enable_x64 else jnp.int32)
    # trunc_normal_(mean=0, std=1, a=-3, b=3)
    weight = jax.random.truncated_normal(k_w, -3.0, 3.0, (VOCAB_SIZE, D_MODEL), dtype=jnp.float32)
    return {"token_ids": token_ids, "weight": weight}

def reference(token_ids, weight):
    # faithful to: self.weight[token_ids]
    return jnp.take(weight, token_ids, axis=0)

if __name__ == "__main__":
    import jax
    _d = setup_inputs()
    print(jax.jit(kernel)(*tuple(_d.values())))

</pallas_src>

<mosaic_0001>
#map = affine_map<(d0, d1) -> (0)>
#map1 = affine_map<(d0, d1) -> (0, 0)>
module attributes {stable_mosaic.version = 14 : i64} {
  func.func @emb(%arg0: i32, %arg1: i32, %arg2: memref<819200xi32, #tpu.memory_space<hbm>>, %arg3: memref<1000000x64xf32, #tpu.memory_space<hbm>>, %arg4: memref<819200x64xf32, #tpu.memory_space<hbm>>, %arg5: memref<25600xi32, #tpu.memory_space<vmem>>, %arg6: memref<4x320x64xf32, #tpu.memory_space<vmem>>, %arg7: memref<!tpu.dma_semaphore, #tpu.memory_space<semaphore_mem>>, %arg8: memref<!tpu.dma_semaphore, #tpu.memory_space<semaphore_mem>>, %arg9: memref<!tpu.dma_semaphore, #tpu.memory_space<semaphore_mem>>, %arg10: memref<!tpu.dma_semaphore, #tpu.memory_space<semaphore_mem>>, %arg11: memref<!tpu.dma_semaphore, #tpu.memory_space<semaphore_mem>>, %arg12: memref<!tpu.dma_semaphore, #tpu.memory_space<semaphore_mem>>, %arg13: memref<!tpu.dma_semaphore, #tpu.memory_space<semaphore_mem>>, %arg14: memref<!tpu.dma_semaphore, #tpu.memory_space<semaphore_mem>>) attributes {dimension_semantics = [#tpu.dimension_semantics<core_parallel>, #tpu.dimension_semantics<subcore_parallel>], iteration_bounds = array<i64: 2, 16>, scalar_prefetch = 0 : i64, scratch_operands = 10 : i64, tpu.core_type = #tpu.core_type<sc_vector_subcore>, window_params = [{transform_indices = #map}, {transform_indices = #map1}, {transform_indices = #map1}]} {
    %mul3A = arith.constant 2 : i32
    %mul3A_0 = arith.muli %arg1, %mul3A : i32
    %add3A = arith.addi %mul3A_0, %arg0 : i32
    %mul3A_1 = arith.constant 25600 : i32
    %mul3A_2 = arith.muli %add3A, %mul3A_1 : i32
    "tpu.region"() ({
      %run_scoped3A = tpu.sem_alloc : memref<!tpu.dma_semaphore, #tpu.memory_space<semaphore_mem>>
      %dma_start3A_206 = tpu.memref_slice %arg2[%mul3A_2] : memref<819200xi32, #tpu.memory_space<hbm>> -> memref<25600xi32, #tpu.memory_space<hbm>>
      %dma_start3A_207 = tpu.memref_slice %arg2[%mul3A_2] : memref<819200xi32, #tpu.memory_space<hbm>> -> memref<25600xi32, #tpu.memory_space<hbm>>
      tpu.enqueue_dma source(%dma_start3A_207 : memref<25600xi32, #tpu.memory_space<hbm>>) target(%arg5 : memref<25600xi32, #tpu.memory_space<vmem>>) target_semaphore(%run_scoped3A : memref<!tpu.dma_semaphore, #tpu.memory_space<semaphore_mem>>)
      %dma_wait3A_208 = tpu.memref_slice %arg2[%mul3A_2] : memref<819200xi32, #tpu.memory_space<hbm>> -> memref<25600xi32, #tpu.memory_space<hbm>>
      %dma_wait3A_209 = tpu.memref_slice %arg2[%mul3A_2] : memref<819200xi32, #tpu.memory_space<hbm>> -> memref<25600xi32, #tpu.memory_space<hbm>>
      tpu.wait_dma2 semaphore(%run_scoped3A : memref<!tpu.dma_semaphore, #tpu.memory_space<semaphore_mem>>) src(%dma_wait3A_209 : memref<25600xi32, #tpu.memory_space<hbm>>) dst(%arg5 : memref<25600xi32, #tpu.memory_space<vmem>>)
      tpu.yield
    }) : () -> ()
    %dma_start3A = arith.constant 0 : i32
    %dma_start3A_3 = arith.constant 0 : i32
    %dma_start3A_4 = arith.constant 0 : i32
    %dma_start3A_5 = tpu.memref_slice %arg6[%dma_start3A, %dma_start3A_3, %dma_start3A_4] : memref<4x320x64xf32, #tpu.memory_space<vmem>> -> memref<1x320x64xf32, #tpu.memory_space<vmem>>
    %dma_start3A_6 = tpu.memref_squeeze %dma_start3A_5 : memref<1x320x64xf32, #tpu.memory_space<vmem>> -> memref<320x64xf32, #tpu.memory_space<vmem>>
    %dma_start3A_7 = arith.constant 0 : i32
    %dma_start3A_8 = tpu.memref_slice %arg5[%dma_start3A_7] : memref<25600xi32, #tpu.memory_space<vmem>> -> memref<320xi32, #tpu.memory_space<vmem>>
    %dma_start3A_9 = arith.constant 0 : i32
    %dma_start3A_10 = arith.constant 0 : i32
    %dma_start3A_11 = tpu.memref_slice %arg3[%dma_start3A_9, %dma_start3A_10] : memref<1000000x64xf32, #tpu.memory_space<hbm>> -> memref<1000000x64xf32, #tpu.memory_space<hbm>>
    tpu.enqueue_indirect_dma source(%dma_start3A_11 : memref<1000000x64xf32, #tpu.memory_space<hbm>>) target(%dma_start3A_6 : memref<320x64xf32, #tpu.memory_space<vmem>>) offsets(%dma_start3A_8 : memref<320xi32, #tpu.memory_space<vmem>>) semaphore(%arg7 : memref<!tpu.dma_semaphore, #tpu.memory_space<semaphore_mem>>)
    %dma_start3A_12 = arith.constant 1 : i32
    %dma_start3A_13 = arith.constant 0 : i32
    %dma_start3A_14 = arith.constant 0 : i32
    %dma_start3A_15 = tpu.memref_slice %arg6[%dma_start3A_12, %dma_start3A_13, %dma_start3A_14] : memref<4x320x64xf32, #tpu.memory_space<vmem>> -> memref<1x320x64xf32, #tpu.memory_space<vmem>>
    %dma_start3A_16 = tpu.memref_squeeze %dma_start3A_15 : memref<1x320x64xf32, #tpu.memory_space<vmem>> -> memref<320x64xf32, #tpu.memory_space<vmem>>
    %dma_start3A_17 = arith.constant 320 : i32
    %dma_start3A_18 = tpu.memref_slice %arg5[%dma_start3A_17] : memref<25600xi32, #tpu.memory_space<vmem>> -> memref<320xi32, #tpu.memory_space<vmem>>
    %dma_start3A_19 = arith.constant 0 : i32
    %dma_start3A_20 = arith.constant 0 : i32
    %dma_start3A_21 = tpu.memref_slice %arg3[%dma_start3A_19, %dma_start3A_20] : memref<1000000x64xf32, #tpu.memory_space<hbm>> -> memref<1000000x64xf32, #tpu.memory_space<hbm>>
    tpu.enqueue_indirect_dma source(%dma_start3A_21 : memref<1000000x64xf32, #tpu.memory_space<hbm>>) target(%dma_start3A_16 : memref<320x64xf32, #tpu.memory_space<vmem>>) offsets(%dma_start3A_18 : memref<320xi32, #tpu.memory_space<vmem>>) semaphore(%arg8 : memref<!tpu.dma_semaphore, #tpu.memory_space<semaphore_mem>>)
    %dma_wait3A = arith.constant 0 : i32
    %dma_wait3A_22 = arith.constant 0 : i32
    %dma_wait3A_23 = arith.constant 0 : i32
    %dma_wait3A_24 = tpu.memref_slice %arg6[%dma_wait3A, %dma_wait3A_22, %dma_wait3A_23] : memref<4x320x64xf32, #tpu.memory_space<vmem>> -> memref<1x320x64xf32, #tpu.memory_space<vmem>>
    %dma_wait3A_25 = tpu.memref_squeeze %dma_wait3A_24 : memref<1x320x64xf32, #tpu.memory_space<vmem>> -> memref<320x64xf32, #tpu.memory_space<vmem>>
    %dma_wait3A_26 = arith.constant 0 : i32
    %dma_wait3A_27 = tpu.memref_slice %arg5[%dma_wait3A_26] : memref<25600xi32, #tpu.memory_space<vmem>> -> memref<320xi32, #tpu.memory_space<vmem>>
    %dma_wait3A_28 = arith.constant 0 : i32
    %dma_wait3A_29 = arith.constant 0 : i32
    %dma_wait3A_30 = tpu.memref_slice %arg3[%dma_wait3A_28, %dma_wait3A_29] : memref<1000000x64xf32, #tpu.memory_space<hbm>> -> memref<1000000x64xf32, #tpu.memory_space<hbm>>
    tpu.wait_indirect_dma semaphore(%arg7 : memref<!tpu.dma_semaphore, #tpu.memory_space<semaphore_mem>>) src(%dma_wait3A_30 : memref<1000000x64xf32, #tpu.memory_space<hbm>>) dst(%dma_wait3A_25 : memref<320x64xf32, #tpu.memory_space<vmem>>)
    %add3A_31 = arith.constant 0 : i32
    %add3A_32 = arith.addi %mul3A_2, %add3A_31 : i32
    %dma_start3A_33 = arith.constant 0 : i32
    %dma_start3A_34 = arith.constant 0 : i32
    %dma_start3A_35 = arith.constant 0 : i32
    %dma_start3A_36 = tpu.memref_slice %arg6[%dma_start3A_33, %dma_start3A_34, %dma_start3A_35] : memref<4x320x64xf32, #tpu.memory_space<vmem>> -> memref<1x320x64xf32, #tpu.memory_space<vmem>>
    %dma_start3A_37 = tpu.memref_squeeze %dma_start3A_36 : memref<1x320x64xf32, #tpu.memory_space<vmem>> -> memref<320x64xf32, #tpu.memory_space<vmem>>
    %dma_start3A_38 = arith.constant 0 : i32
    %dma_start3A_39 = tpu.memref_slice %arg4[%add3A_32, %dma_start3A_38] : memref<819200x64xf32, #tpu.memory_space<hbm>> -> memref<320x64xf32, #tpu.memory_space<hbm>>
    %dma_start3A_40 = arith.constant 0 : i32
    %dma_start3A_41 = tpu.memref_slice %arg4[%add3A_32, %dma_start3A_40] : memref<819200x64xf32, #tpu.memory_space<hbm>> -> memref<320x64xf32, #tpu.memory_space<hbm>>
    %dma_start3A_42 = arith.constant 0 : i32
    %dma_start3A_43 = arith.constant 0 : i32
    %dma_start3A_44 = tpu.memref_slice %arg6[%dma_start3A_33, %dma_start3A_42, %dma_start3A_43] : memref<4x320x64xf32, #tpu.memory_space<vmem>> -> memref<1x320x64xf32, #tpu.memory_space<vmem>>
    %dma_start3A_45 = tpu.memref_squeeze %dma_start3A_44 : memref<1x320x64xf32, #tpu.memory_space<vmem>> -> memref<320x64xf32, #tpu.memory_space<vmem>>
    tpu.enqueue_dma source(%dma_start3A_45 : memref<320x64xf32, #tpu.memory_space<vmem>>) target(%dma_start3A_41 : memref<320x64xf32, #tpu.memory_space<hbm>>) target_semaphore(%arg11 : memref<!tpu.dma_semaphore, #tpu.memory_space<semaphore_mem>>)
    %dma_start3A_46 = arith.constant 2 : i32
    %dma_start3A_47 = arith.constant 0 : i32
    %dma_start3A_48 = arith.constant 0 : i32
    %dma_start3A_49 = tpu.memref_slice %arg6[%dma_start3A_46, %dma_start3A_47, %dma_start3A_48] : memref<4x320x64xf32, #tpu.memory_space<vmem>> -> memref<1x320x64xf32, #tpu.memory_space<vmem>>
    %dma_start3A_50 = tpu.memref_squeeze %dma_start3A_49 : memref<1x320x64xf32, #tpu.memory_space<vmem>> -> memref<320x64xf32, #tpu.memory_space<vmem>>
    %dma_start3A_51 = arith.constant 640 : i32
    %dma_start3A_52 = tpu.memref_slice %arg5[%dma_start3A_51] : memref<25600xi32, #tpu.memory_space<vmem>> -> memref<320xi32, #tpu.memory_space<vmem>>
    %dma_start3A_53 = arith.constant 0 : i32
    %dma_start3A_54 = arith.constant 0 : i32
    %dma_start3A_55 = tpu.memref_slice %arg3[%dma_start3A_53, %dma_start3A_54] : memref<1000000x64xf32, #tpu.memory_space<hbm>> -> memref<1000000x64xf32, #tpu.memory_space<hbm>>
    tpu.enqueue_indirect_dma source(%dma_start3A_55 : memref<1000000x64xf32, #tpu.memory_space<hbm>>) target(%dma_start3A_50 : memref<320x64xf32, #tpu.memory_space<vmem>>) offsets(%dma_start3A_52 : memref<320xi32, #tpu.memory_space<vmem>>) semaphore(%arg9 : memref<!tpu.dma_semaphore, #tpu.memory_space<semaphore_mem>>)
    %dma_wait3A_56 = arith.constant 1 : i32
    %dma_wait3A_57 = arith.constant 0 : i32
    %dma_wait3A_58 = arith.constant 0 : i32
    %dma_wait3A_59 = tpu.memref_slice %arg6[%dma_wait3A_56, %dma_wait3A_57, %dma_wait3A_58] : memref<4x320x64xf32, #tpu.memory_space<vmem>> -> memref<1x320x64xf32, #tpu.memory_space<vmem>>
    %dma_wait3A_60 = tpu.memref_squeeze %dma_wait3A_59 : memref<1x320x64xf32, #tpu.memory_space<vmem>> -> memref<320x64xf32, #tpu.memory_space<vmem>>
    %dma_wait3A_61 = arith.constant 320 : i32
    %dma_wait3A_62 = tpu.memref_slice %arg5[%dma_wait3A_61] : memref<25600xi32, #tpu.memory_space<vmem>> -> memref<320xi32, #tpu.memory_space<vmem>>
    %dma_wait3A_63 = arith.constant 0 : i32
    %dma_wait3A_64 = arith.constant 0 : i32
    %dma_wait3A_65 = tpu.memref_slice %arg3[%dma_wait3A_63, %dma_wait3A_64] : memref<1000000x64xf32, #tpu.memory_space<hbm>> -> memref<1000000x64xf32, #tpu.memory_space<hbm>>
    tpu.wait_indirect_dma semaphore(%arg8 : memref<!tpu.dma_semaphore, #tpu.memory_space<semaphore_mem>>) src(%dma_wait3A_65 : memref<1000000x64xf32, #tpu.memory_space<hbm>>) dst(%dma_wait3A_60 : memref<320x64xf32, #tpu.memory_space<vmem>>)
    %add3A_66 = arith.constant 320 : i32
    %add3A_67 = arith.addi %mul3A_2, %add3A_66 : i32
    %dma_start3A_68 = arith.constant 1 : i32
    %dma_start3A_69 = arith.constant 0 : i32
    %dma_start3A_70 = arith.constant 0 : i32
    %dma_start3A_71 = tpu.memref_slice %arg6[%dma_start3A_68, %dma_start3A_69, %dma_start3A_70] : memref<4x320x64xf32, #tpu.memory_space<vmem>> -> memref<1x320x64xf32, #tpu.memory_space<vmem>>
    %dma_start3A_72 = tpu.memref_squeeze %dma_start3A_71 : memref<1x320x64xf32, #tpu.memory_space<vmem>> -> memref<320x64xf32, #tpu.memory_space<vmem>>
    %dma_start3A_73 = arith.constant 0 : i32
    %dma_start3A_74 = tpu.memref_slice %arg4[%add3A_67, %dma_start3A_73] : memref<819200x64xf32, #tpu.memory_space<hbm>> -> memref<320x64xf32, #tpu.memory_space<hbm>>
    %dma_start3A_75 = arith.constant 0 : i32
    %dma_start3A_76 = tpu.memref_slice %arg4[%add3A_67, %dma_start3A_75] : memref<819200x64xf32, #tpu.memory_space<hbm>> -> memref<320x64xf32, #tpu.memory_space<hbm>>
    %dma_start3A_77 = arith.constant 0 : i32
    %dma_start3A_78 = arith.constant 0 : i32
    %dma_start3A_79 = tpu.memref_slice %arg6[%dma_start3A_68, %dma_start3A_77, %dma_start3A_78] : memref<4x320x64xf32, #tpu.memory_space<vmem>> -> memref<1x320x64xf32, #tpu.memory_space<vmem>>
    %dma_start3A_80 = tpu.memref_squeeze %dma_start3A_79 : memref<1x320x64xf32, #tpu.memory_space<vmem>> -> memref<320x64xf32, #tpu.memory_space<vmem>>
    tpu.enqueue_dma source(%dma_start3A_80 : memref<320x64xf32, #tpu.memory_space<vmem>>) target(%dma_start3A_76 : memref<320x64xf32, #tpu.memory_space<hbm>>) target_semaphore(%arg12 : memref<!tpu.dma_semaphore, #tpu.memory_space<semaphore_mem>>)
    %dma_start3A_81 = arith.constant 3 : i32
    %dma_start3A_82 = arith.constant 0 : i32
    %dma_start3A_83 = arith.constant 0 : i32
    %dma_start3A_84 = tpu.memref_slice %arg6[%dma_start3A_81, %dma_start3A_82, %dma_start3A_83] : memref<4x320x64xf32, #tpu.memory_space<vmem>> -> memref<1x320x64xf32, #tpu.memory_space<vmem>>
    %dma_start3A_85 = tpu.memref_squeeze %dma_start3A_84 : memref<1x320x64xf32, #tpu.memory_space<vmem>> -> memref<320x64xf32, #tpu.memory_space<vmem>>
    %dma_start3A_86 = arith.constant 960 : i32
    %dma_start3A_87 = tpu.memref_slice %arg5[%dma_start3A_86] : memref<25600xi32, #tpu.memory_space<vmem>> -> memref<320xi32, #tpu.memory_space<vmem>>
    %dma_start3A_88 = arith.constant 0 : i32
    %dma_start3A_89 = arith.constant 0 : i32
    %dma_start3A_90 = tpu.memref_slice %arg3[%dma_start3A_88, %dma_start3A_89] : memref<1000000x64xf32, #tpu.memory_space<hbm>> -> memref<1000000x64xf32, #tpu.memory_space<hbm>>
    tpu.enqueue_indirect_dma source(%dma_start3A_90 : memref<1000000x64xf32, #tpu.memory_space<hbm>>) target(%dma_start3A_85 : memref<320x64xf32, #tpu.memory_space<vmem>>) offsets(%dma_start3A_87 : memref<320xi32, #tpu.memory_space<vmem>>) semaphore(%arg10 : memref<!tpu.dma_semaphore, #tpu.memory_space<semaphore_mem>>)
    %scan3A = arith.constant 0 : i32
    %scan3A_91 = arith.constant 0 : i32
    %scan3A_92 = arith.constant 19 : i32
    %scan3A_93 = arith.addi %scan3A_91, %scan3A_92 : i32
    %scan3A_94 = arith.constant 1 : i32
    scf.for %scan3A_206 = %scan3A_91 to %scan3A_93 step %scan3A_94  : i32 {
      %mul3A_207 = arith.constant 4 : i32
      %mul3A_208 = arith.muli %mul3A_207, %scan3A_206 : i32
      %add3A_209 = arith.constant 2 : i32
      %add3A_210 = arith.addi %add3A_209, %mul3A_208 : i32
      %add3A_211 = arith.constant 0 : i32
      %add3A_212 = arith.addi %add3A_210, %add3A_211 : i32
      %mul3A_213 = arith.constant 320 : i32
      %mul3A_214 = arith.muli %add3A_212, %mul3A_213 : i32
      %dma_wait3A_215 = arith.constant 2 : i32
      %dma_wait3A_216 = arith.constant 0 : i32
      %dma_wait3A_217 = arith.constant 0 : i32
      %dma_wait3A_218 = tpu.memref_slice %arg6[%dma_wait3A_215, %dma_wait3A_216, %dma_wait3A_217] : memref<4x320x64xf32, #tpu.memory_space<vmem>> -> memref<1x320x64xf32, #tpu.memory_space<vmem>>
      %dma_wait3A_219 = tpu.memref_squeeze %dma_wait3A_218 : memref<1x320x64xf32, #tpu.memory_space<vmem>> -> memref<320x64xf32, #tpu.memory_space<vmem>>
      %dma_wait3A_220 = tpu.memref_slice %arg5[%mul3A_214] : memref<25600xi32, #tpu.memory_space<vmem>> -> memref<320xi32, #tpu.memory_space<vmem>>
      %dma_wait3A_221 = arith.constant 0 : i32
      %dma_wait3A_222 = arith.constant 0 : i32
      %dma_wait3A_223 = tpu.memref_slice %arg3[%dma_wait3A_221, %dma_wait3A_222] : memref<1000000x64xf32, #tpu.memory_space<hbm>> -> memref<1000000x64xf32, #tpu.memory_space<hbm>>
      tpu.wait_indirect_dma semaphore(%arg9 : memref<!tpu.dma_semaphore, #tpu.memory_space<semaphore_mem>>) src(%dma_wait3A_223 : memref<1000000x64xf32, #tpu.memory_space<hbm>>) dst(%dma_wait3A_219 : memref<320x64xf32, #tpu.memory_space<vmem>>)
      %mul3A_224 = arith.constant 320 : i32
      %mul3A_225 = arith.muli %add3A_212, %mul3A_224 : i32
      %add3A_226 = arith.addi %mul3A_2, %mul3A_225 : i32
      %dma_start3A_227 = arith.constant 2 : i32
      %dma_start3A_228 = arith.constant 0 : i32
      %dma_start3A_229 = arith.constant 0 : i32
      %dma_start3A_230 = tpu.memref_slice %arg6[%dma_start3A_227, %dma_start3A_228, %dma_start3A_229] : memref<4x320x64xf32, #tpu.memory_space<vmem>> -> memref<1x320x64xf32, #tpu.memory_space<vmem>>
      %dma_start3A_231 = tpu.memref_squeeze %dma_start3A_230 : memref<1x320x64xf32, #tpu.memory_space<vmem>> -> memref<320x64xf32, #tpu.memory_space<vmem>>
      %dma_start3A_232 = arith.constant 0 : i32
      %dma_start3A_233 = tpu.memref_slice %arg4[%add3A_226, %dma_start3A_232] : memref<819200x64xf32, #tpu.memory_space<hbm>> -> memref<320x64xf32, #tpu.memory_space<hbm>>
      %dma_start3A_234 = arith.constant 0 : i32
      %dma_start3A_235 = tpu.memref_slice %arg4[%add3A_226, %dma_start3A_234] : memref<819200x64xf32, #tpu.memory_space<hbm>> -> memref<320x64xf32, #tpu.memory_space<hbm>>
      %dma_start3A_236 = arith.constant 0 : i32
      %dma_start3A_237 = arith.constant 0 : i32
      %dma_start3A_238 = tpu.memref_slice %arg6[%dma_start3A_227, %dma_start3A_236, %dma_start3A_237] : memref<4x320x64xf32, #tpu.memory_space<vmem>> -> memref<1x320x64xf32, #tpu.memory_space<vmem>>
      %dma_start3A_239 = tpu.memref_squeeze %dma_start3A_238 : memref<1x320x64xf32, #tpu.memory_space<vmem>> -> memref<320x64xf32, #tpu.memory_space<vmem>>
      tpu.enqueue_dma source(%dma_start3A_239 : memref<320x64xf32, #tpu.memory_space<vmem>>) target(%dma_start3A_235 : memref<320x64xf32, #tpu.memory_space<hbm>>) target_semaphore(%arg13 : memref<!tpu.dma_semaphore, #tpu.memory_space<semaphore_mem>>)
      %add3A_240 = arith.constant 2 : i32
      %add3A_241 = arith.addi %add3A_212, %add3A_240 : i32
      %sub3A = arith.constant 4 : i32
      %sub3A_242 = arith.subi %add3A_241, %sub3A : i32
      %mul3A_243 = arith.constant 320 : i32
      %mul3A_244 = arith.muli %sub3A_242, %mul3A_243 : i32
      %add3A_245 = arith.addi %mul3A_2, %mul3A_244 : i32
      %dma_wait3A_246 = arith.constant 0 : i32
      %dma_wait3A_247 = arith.constant 0 : i32
      %dma_wait3A_248 = arith.constant 0 : i32
      %dma_wait3A_249 = tpu.memref_slice %arg6[%dma_wait3A_246, %dma_wait3A_247, %dma_wait3A_248] : memref<4x320x64xf32, #tpu.memory_space<vmem>> -> memref<1x320x64xf32, #tpu.memory_space<vmem>>
      %dma_wait3A_250 = tpu.memref_squeeze %dma_wait3A_249 : memref<1x320x64xf32, #tpu.memory_space<vmem>> -> memref<320x64xf32, #tpu.memory_space<vmem>>
      %dma_wait3A_251 = arith.constant 0 : i32
      %dma_wait3A_252 = tpu.memref_slice %arg4[%add3A_245, %dma_wait3A_251] : memref<819200x64xf32, #tpu.memory_space<hbm>> -> memref<320x64xf32, #tpu.memory_space<hbm>>
      %dma_wait3A_253 = arith.constant 0 : i32
      %dma_wait3A_254 = tpu.memref_slice %arg4[%add3A_245, %dma_wait3A_253] : memref<819200x64xf32, #tpu.memory_space<hbm>> -> memref<320x64xf32, #tpu.memory_space<hbm>>
      %dma_wait3A_255 = arith.constant 0 : i32
      %dma_wait3A_256 = arith.constant 0 : i32
      %dma_wait3A_257 = tpu.memref_slice %arg6[%dma_wait3A_246, %dma_wait3A_255, %dma_wait3A_256] : memref<4x320x64xf32, #tpu.memory_space<vmem>> -> memref<1x320x64xf32, #tpu.memory_space<vmem>>
      %dma_wait3A_258 = tpu.memref_squeeze %dma_wait3A_257 : memref<1x320x64xf32, #tpu.memory_space<vmem>> -> memref<320x64xf32, #tpu.memory_space<vmem>>
      tpu.wait_dma2 semaphore(%arg11 : memref<!tpu.dma_semaphore, #tpu.memory_space<semaphore_mem>>) src(%dma_wait3A_258 : memref<320x64xf32, #tpu.memory_space<vmem>>) dst(%dma_wait3A_254 : memref<320x64xf32, #tpu.memory_space<hbm>>)
      %add3A_259 = arith.constant 2 : i32
      %add3A_260 = arith.addi %add3A_212, %add3A_259 : i32
      %mul3A_261 = arith.constant 320 : i32
      %mul3A_262 = arith.muli %add3A_260, %mul3A_261 : i32
      %dma_start3A_263 = arith.constant 0 : i32
      %dma_start3A_264 = arith.constant 0 : i32
      %dma_start3A_265 = arith.constant 0 : i32
      %dma_start3A_266 = tpu.memref_slice %arg6[%dma_start3A_263, %dma_start3A_264, %dma_start3A_265] : memref<4x320x64xf32, #tpu.memory_space<vmem>> -> memref<1x320x64xf32, #tpu.memory_space<vmem>>
      %dma_start3A_267 = tpu.memref_squeeze %dma_start3A_266 : memref<1x320x64xf32, #tpu.memory_space<vmem>> -> memref<320x64xf32, #tpu.memory_space<vmem>>
      %dma_start3A_268 = tpu.memref_slice %arg5[%mul3A_262] : memref<25600xi32, #tpu.memory_space<vmem>> -> memref<320xi32, #tpu.memory_space<vmem>>
      %dma_start3A_269 = arith.constant 0 : i32
      %dma_start3A_270 = arith.constant 0 : i32
      %dma_start3A_271 = tpu.memref_slice %arg3[%dma_start3A_269, %dma_start3A_270] : memref<1000000x64xf32, #tpu.memory_space<hbm>> -> memref<1000000x64xf32, #tpu.memory_space<hbm>>
      tpu.enqueue_indirect_dma source(%dma_start3A_271 : memref<1000000x64xf32, #tpu.memory_space<hbm>>) target(%dma_start3A_267 : memref<320x64xf32, #tpu.memory_space<vmem>>) offsets(%dma_start3A_268 : memref<320xi32, #tpu.memory_space<vmem>>) semaphore(%arg7 : memref<!tpu.dma_semaphore, #tpu.memory_space<semaphore_mem>>)
      %add3A_272 = arith.constant 1 : i32
      %add3A_273 = arith.addi %add3A_210, %add3A_272 : i32
      %mul3A_274 = arith.constant 320 : i32
      %mul3A_275 = arith.muli %add3A_273, %mul3A_274 : i32
      %dma_wait3A_276 = arith.constant 3 : i32
      %dma_wait3A_277 = arith.constant 0 : i32
      %dma_wait3A_278 = arith.constant 0 : i32
      %dma_wait3A_279 = tpu.memref_slice %arg6[%dma_wait3A_276, %dma_wait3A_277, %dma_wait3A_278] : memref<4x320x64xf32, #tpu.memory_space<vmem>> -> memref<1x320x64xf32, #tpu.memory_space<vmem>>
      %dma_wait3A_280 = tpu.memref_squeeze %dma_wait3A_279 : memref<1x320x64xf32, #tpu.memory_space<vmem>> -> memref<320x64xf32, #tpu.memory_space<vmem>>
      %dma_wait3A_281 = tpu.memref_slice %arg5[%mul3A_275] : memref<25600xi32, #tpu.memory_space<vmem>> -> memref<320xi32, #tpu.memory_space<vmem>>
      %dma_wait3A_282 = arith.constant 0 : i32
      %dma_wait3A_283 = arith.constant 0 : i32
      %dma_wait3A_284 = tpu.memref_slice %arg3[%dma_wait3A_282, %dma_wait3A_283] : memref<1000000x64xf32, #tpu.memory_space<hbm>> -> memref<1000000x64xf32, #tpu.memory_space<hbm>>
      tpu.wait_indirect_dma semaphore(%arg10 : memref<!tpu.dma_semaphore, #tpu.memory_space<semaphore_mem>>) src(%dma_wait3A_284 : memref<1000000x64xf32, #tpu.memory_space<hbm>>) dst(%dma_wait3A_280 : memref<320x64xf32, #tpu.memory_space<vmem>>)
      %mul3A_285 = arith.constant 320 : i32
      %mul3A_286 = arith.muli %add3A_273, %mul3A_285 : i32
      %add3A_287 = arith.addi %mul3A_2, %mul3A_286 : i32
      %dma_start3A_288 = arith.constant 3 : i32
      %dma_start3A_289 = arith.constant 0 : i32
      %dma_start3A_290 = arith.constant 0 : i32
      %dma_start3A_291 = tpu.memref_slice %arg6[%dma_start3A_288, %dma_start3A_289, %dma_start3A_290] : memref<4x320x64xf32, #tpu.memory_space<vmem>> -> memref<1x320x64xf32, #tpu.memory_space<vmem>>
      %dma_start3A_292 = tpu.memref_squeeze %dma_start3A_291 : memref<1x320x64xf32, #tpu.memory_space<vmem>> -> memref<320x64xf32, #tpu.memory_space<vmem>>
      %dma_start3A_293 = arith.constant 0 : i32
      %dma_start3A_294 = tpu.memref_slice %arg4[%add3A_287, %dma_start3A_293] : memref<819200x64xf32, #tpu.memory_space<hbm>> -> memref<320x64xf32, #tpu.memory_space<hbm>>
      %dma_start3A_295 = arith.constant 0 : i32
      %dma_start3A_296 = tpu.memref_slice %arg4[%add3A_287, %dma_start3A_295] : memref<819200x64xf32, #tpu.memory_space<hbm>> -> memref<320x64xf32, #tpu.memory_space<hbm>>
      %dma_start3A_297 = arith.constant 0 : i32
      %dma_start3A_298 = arith.constant 0 : i32
      %dma_start3A_299 = tpu.memref_slice %arg6[%dma_start3A_288, %dma_start3A_297, %dma_start3A_298] : memref<4x320x64xf32, #tpu.memory_space<vmem>> -> memref<1x320x64xf32, #tpu.memory_space<vmem>>
      %dma_start3A_300 = tpu.memref_squeeze %dma_start3A_299 : memref<1x320x64xf32, #tpu.memory_space<vmem>> -> memref<320x64xf32, #tpu.memory_space<vmem>>
      tpu.enqueue_dma source(%dma_start3A_300 : memref<320x64xf32, #tpu.memory_space<vmem>>) target(%dma_start3A_296 : memref<320x64xf32, #tpu.memory_space<hbm>>) target_semaphore(%arg14 : memref<!tpu.dma_semaphore, #tpu.memory_space<semaphore_mem>>)
      %add3A_301 = arith.constant 2 : i32
      %add3A_302 = arith.addi %add3A_273, %add3A_301 : i32
      %sub3A_303 = arith.constant 4 : i32
      %sub3A_304 = arith.subi %add3A_302, %sub3A_303 : i32
      %mul3A_305 = arith.constant 320 : i32
      %mul3A_306 = arith.muli %sub3A_304, %mul3A_305 : i32
      %add3A_307 = arith.addi %mul3A_2, %mul3A_306 : i32
      %dma_wait3A_308 = arith.constant 1 : i32
      %dma_wait3A_309 = arith.constant 0 : i32
      %dma_wait3A_310 = arith.constant 0 : i32
      %dma_wait3A_311 = tpu.memref_slice %arg6[%dma_wait3A_308, %dma_wait3A_309, %dma_wait3A_310] : memref<4x320x64xf32, #tpu.memory_space<vmem>> -> memref<1x320x64xf32, #tpu.memory_space<vmem>>
      %dma_wait3A_312 = tpu.memref_squeeze %dma_wait3A_311 : memref<1x320x64xf32, #tpu.memory_space<vmem>> -> memref<320x64xf32, #tpu.memory_space<vmem>>
      %dma_wait3A_313 = arith.constant 0 : i32
      %dma_wait3A_314 = tpu.memref_slice %arg4[%add3A_307, %dma_wait3A_313] : memref<819200x64xf32, #tpu.memory_space<hbm>> -> memref<320x64xf32, #tpu.memory_space<hbm>>
      %dma_wait3A_315 = arith.constant 0 : i32
      %dma_wait3A_316 = tpu.memref_slice %arg4[%add3A_307, %dma_wait3A_315] : memref<819200x64xf32, #tpu.memory_space<hbm>> -> memref<320x64xf32, #tpu.memory_space<hbm>>
      %dma_wait3A_317 = arith.constant 0 : i32
      %dma_wait3A_318 = arith.constant 0 : i32
      %dma_wait3A_319 = tpu.memref_slice %arg6[%dma_wait3A_308, %dma_wait3A_317, %dma_wait3A_318] : memref<4x320x64xf32, #tpu.memory_space<vmem>> -> memref<1x320x64xf32, #tpu.memory_space<vmem>>
      %dma_wait3A_320 = tpu.memref_squeeze %dma_wait3A_319 : memref<1x320x64xf32, #tpu.memory_space<vmem>> -> memref<320x64xf32, #tpu.memory_space<vmem>>
      tpu.wait_dma2 semaphore(%arg12 : memref<!tpu.dma_semaphore, #tpu.memory_space<semaphore_mem>>) src(%dma_wait3A_320 : memref<320x64xf32, #tpu.memory_space<vmem>>) dst(%dma_wait3A_316 : memref<320x64xf32, #tpu.memory_space<hbm>>)
      %add3A_321 = arith.constant 2 : i32
      %add3A_322 = arith.addi %add3A_273, %add3A_321 : i32
      %mul3A_323 = arith.constant 320 : i32
      %mul3A_324 = arith.muli %add3A_322, %mul3A_323 : i32
      %dma_start3A_325 = arith.constant 1 : i32
      %dma_start3A_326 = arith.constant 0 : i32
      %dma_start3A_327 = arith.constant 0 : i32
      %dma_start3A_328 = tpu.memref_slice %arg6[%dma_start3A_325, %dma_start3A_326, %dma_start3A_327] : memref<4x320x64xf32, #tpu.memory_space<vmem>> -> memref<1x320x64xf32, #tpu.memory_space<vmem>>
      %dma_start3A_329 = tpu.memref_squeeze %dma_start3A_328 : memref<1x320x64xf32, #tpu.memory_space<vmem>> -> memref<320x64xf32, #tpu.memory_space<vmem>>
      %dma_start3A_330 = tpu.memref_slice %arg5[%mul3A_324] : memref<25600xi32, #tpu.memory_space<vmem>> -> memref<320xi32, #tpu.memory_space<vmem>>
      %dma_start3A_331 = arith.constant 0 : i32
      %dma_start3A_332 = arith.constant 0 : i32
      %dma_start3A_333 = tpu.memref_slice %arg3[%dma_start3A_331, %dma_start3A_332] : memref<1000000x64xf32, #tpu.memory_space<hbm>> -> memref<1000000x64xf32, #tpu.memory_space<hbm>>
      tpu.enqueue_indirect_dma source(%dma_start3A_333 : memref<1000000x64xf32, #tpu.memory_space<hbm>>) target(%dma_start3A_329 : memref<320x64xf32, #tpu.memory_space<vmem>>) offsets(%dma_start3A_330 : memref<320xi32, #tpu.memory_space<vmem>>) semaphore(%arg8 : memref<!tpu.dma_semaphore, #tpu.memory_space<semaphore_mem>>)
      %add3A_334 = arith.constant 2 : i32
      %add3A_335 = arith.addi %add3A_210, %add3A_334 : i32
      %mul3A_336 = arith.constant 320 : i32
      %mul3A_337 = arith.muli %add3A_335, %mul3A_336 : i32
      %dma_wait3A_338 = arith.constant 0 : i32
      %dma_wait3A_339 = arith.constant 0 : i32
      %dma_wait3A_340 = arith.constant 0 : i32
      %dma_wait3A_341 = tpu.memref_slice %arg6[%dma_wait3A_338, %dma_wait3A_339, %dma_wait3A_340] : memref<4x320x64xf32, #tpu.memory_space<vmem>> -> memref<1x320x64xf32, #tpu.memory_space<vmem>>
      %dma_wait3A_342 = tpu.memref_squeeze %dma_wait3A_341 : memref<1x320x64xf32, #tpu.memory_space<vmem>> -> memref<320x64xf32, #tpu.memory_space<vmem>>
      %dma_wait3A_343 = tpu.memref_slice %arg5[%mul3A_337] : memref<25600xi32, #tpu.memory_space<vmem>> -> memref<320xi32, #tpu.memory_space<vmem>>
      %dma_wait3A_344 = arith.constant 0 : i32
      %dma_wait3A_345 = arith.constant 0 : i32
      %dma_wait3A_346 = tpu.memref_slice %arg3[%dma_wait3A_344, %dma_wait3A_345] : memref<1000000x64xf32, #tpu.memory_space<hbm>> -> memref<1000000x64xf32, #tpu.memory_space<hbm>>
      tpu.wait_indirect_dma semaphore(%arg7 : memref<!tpu.dma_semaphore, #tpu.memory_space<semaphore_mem>>) src(%dma_wait3A_346 : memref<1000000x64xf32, #tpu.memory_space<hbm>>) dst(%dma_wait3A_342 : memref<320x64xf32, #tpu.memory_space<vmem>>)
      %mul3A_347 = arith.constant 320 : i32
      %mul3A_348 = arith.muli %add3A_335, %mul3A_347 : i32
      %add3A_349 = arith.addi %mul3A_2, %mul3A_348 : i32
      %dma_start3A_350 = arith.constant 0 : i32
      %dma_start3A_351 = arith.constant 0 : i32
      %dma_start3A_352 = arith.constant 0 : i32
      %dma_start3A_353 = tpu.memref_slice %arg6[%dma_start3A_350, %dma_start3A_351, %dma_start3A_352] : memref<4x320x64xf32, #tpu.memory_space<vmem>> -> memref<1x320x64xf32, #tpu.memory_space<vmem>>
      %dma_start3A_354 = tpu.memref_squeeze %dma_start3A_353 : memref<1x320x64xf32, #tpu.memory_space<vmem>> -> memref<320x64xf32, #tpu.memory_space<vmem>>
      %dma_start3A_355 = arith.constant 0 : i32
      %dma_start3A_356 = tpu.memref_slice %arg4[%add3A_349, %dma_start3A_355] : memref<819200x64xf32, #tpu.memory_space<hbm>> -> memref<320x64xf32, #tpu.memory_space<hbm>>
      %dma_start3A_357 = arith.constant 0 : i32
      %dma_start3A_358 = tpu.memref_slice %arg4[%add3A_349, %dma_start3A_357] : memref<819200x64xf32, #tpu.memory_space<hbm>> -> memref<320x64xf32, #tpu.memory_space<hbm>>
      %dma_start3A_359 = arith.constant 0 : i32
      %dma_start3A_360 = arith.constant 0 : i32
      %dma_start3A_361 = tpu.memref_slice %arg6[%dma_start3A_350, %dma_start3A_359, %dma_start3A_360] : memref<4x320x64xf32, #tpu.memory_space<vmem>> -> memref<1x320x64xf32, #tpu.memory_space<vmem>>
      %dma_start3A_362 = tpu.memref_squeeze %dma_start3A_361 : memref<1x320x64xf32, #tpu.memory_space<vmem>> -> memref<320x64xf32, #tpu.memory_space<vmem>>
      tpu.enqueue_dma source(%dma_start3A_362 : memref<320x64xf32, #tpu.memory_space<vmem>>) target(%dma_start3A_358 : memref<320x64xf32, #tpu.memory_space<hbm>>) target_semaphore(%arg11 : memref<!tpu.dma_semaphore, #tpu.memory_space<semaphore_mem>>)
      %add3A_363 = arith.constant 2 : i32
      %add3A_364 = arith.addi %add3A_335, %add3A_363 : i32
      %sub3A_365 = arith.constant 4 : i32
      %sub3A_366 = arith.subi %add3A_364, %sub3A_365 : i32
      %mul3A_367 = arith.constant 320 : i32
      %mul3A_368 = arith.muli %sub3A_366, %mul3A_367 : i32
      %add3A_369 = arith.addi %mul3A_2, %mul3A_368 : i32
      %dma_wait3A_370 = arith.constant 2 : i32
      %dma_wait3A_371 = arith.constant 0 : i32
      %dma_wait3A_372 = arith.constant 0 : i32
      %dma_wait3A_373 = tpu.memref_slice %arg6[%dma_wait3A_370, %dma_wait3A_371, %dma_wait3A_372] : memref<4x320x64xf32, #tpu.memory_space<vmem>> -> memref<1x320x64xf32, #tpu.memory_space<vmem>>
      %dma_wait3A_374 = tpu.memref_squeeze %dma_wait3A_373 : memref<1x320x64xf32, #tpu.memory_space<vmem>> -> memref<320x64xf32, #tpu.memory_space<vmem>>
      %dma_wait3A_375 = arith.constant 0 : i32
      %dma_wait3A_376 = tpu.memref_slice %arg4[%add3A_369, %dma_wait3A_375] : memref<819200x64xf32, #tpu.memory_space<hbm>> -> memref<320x64xf32, #tpu.memory_space<hbm>>
      %dma_wait3A_377 = arith.constant 0 : i32
      %dma_wait3A_378 = tpu.memref_slice %arg4[%add3A_369, %dma_wait3A_377] : memref<819200x64xf32, #tpu.memory_space<hbm>> -> memref<320x64xf32, #tpu.memory_space<hbm>>
      %dma_wait3A_379 = arith.constant 0 : i32
      %dma_wait3A_380 = arith.constant 0 : i32
      %dma_wait3A_381 = tpu.memref_slice %arg6[%dma_wait3A_370, %dma_wait3A_379, %dma_wait3A_380] : memref<4x320x64xf32, #tpu.memory_space<vmem>> -> memref<1x320x64xf32, #tpu.memory_space<vmem>>
      %dma_wait3A_382 = tpu.memref_squeeze %dma_wait3A_381 : memref<1x320x64xf32, #tpu.memory_space<vmem>> -> memref<320x64xf32, #tpu.memory_space<vmem>>
      tpu.wait_dma2 semaphore(%arg13 : memref<!tpu.dma_semaphore, #tpu.memory_space<semaphore_mem>>) src(%dma_wait3A_382 : memref<320x64xf32, #tpu.memory_space<vmem>>) dst(%dma_wait3A_378 : memref<320x64xf32, #tpu.memory_space<hbm>>)
      %add3A_383 = arith.constant 2 : i32
      %add3A_384 = arith.addi %add3A_335, %add3A_383 : i32
      %mul3A_385 = arith.constant 320 : i32
      %mul3A_386 = arith.muli %add3A_384, %mul3A_385 : i32
      %dma_start3A_387 = arith.constant 2 : i32
      %dma_start3A_388 = arith.constant 0 : i32
      %dma_start3A_389 = arith.constant 0 : i32
      %dma_start3A_390 = tpu.memref_slice %arg6[%dma_start3A_387, %dma_start3A_388, %dma_start3A_389] : memref<4x320x64xf32, #tpu.memory_space<vmem>> -> memref<1x320x64xf32, #tpu.memory_space<vmem>>
      %dma_start3A_391 = tpu.memref_squeeze %dma_start3A_390 : memref<1x320x64xf32, #tpu.memory_space<vmem>> -> memref<320x64xf32, #tpu.memory_space<vmem>>
      %dma_start3A_392 = tpu.memref_slice %arg5[%mul3A_386] : memref<25600xi32, #tpu.memory_space<vmem>> -> memref<320xi32, #tpu.memory_space<vmem>>
      %dma_start3A_393 = arith.constant 0 : i32
      %dma_start3A_394 = arith.constant 0 : i32
      %dma_start3A_395 = tpu.memref_slice %arg3[%dma_start3A_393, %dma_start3A_394] : memref<1000000x64xf32, #tpu.memory_space<hbm>> -> memref<1000000x64xf32, #tpu.memory_space<hbm>>
      tpu.enqueue_indirect_dma source(%dma_start3A_395 : memref<1000000x64xf32, #tpu.memory_space<hbm>>) target(%dma_start3A_391 : memref<320x64xf32, #tpu.memory_space<vmem>>) offsets(%dma_start3A_392 : memref<320xi32, #tpu.memory_space<vmem>>) semaphore(%arg9 : memref<!tpu.dma_semaphore, #tpu.memory_space<semaphore_mem>>)
      %add3A_396 = arith.constant 3 : i32
      %add3A_397 = arith.addi %add3A_210, %add3A_396 : i32
      %mul3A_398 = arith.constant 320 : i32
      %mul3A_399 = arith.muli %add3A_397, %mul3A_398 : i32
      %dma_wait3A_400 = arith.constant 1 : i32
      %dma_wait3A_401 = arith.constant 0 : i32
      %dma_wait3A_402 = arith.constant 0 : i32
      %dma_wait3A_403 = tpu.memref_slice %arg6[%dma_wait3A_400, %dma_wait3A_401, %dma_wait3A_402] : memref<4x320x64xf32, #tpu.memory_space<vmem>> -> memref<1x320x64xf32, #tpu.memory_space<vmem>>
      %dma_wait3A_404 = tpu.memref_squeeze %dma_wait3A_403 : memref<1x320x64xf32, #tpu.memory_space<vmem>> -> memref<320x64xf32, #tpu.memory_space<vmem>>
      %dma_wait3A_405 = tpu.memref_slice %arg5[%mul3A_399] : memref<25600xi32, #tpu.memory_space<vmem>> -> memref<320xi32, #tpu.memory_space<vmem>>
      %dma_wait3A_406 = arith.constant 0 : i32
      %dma_wait3A_407 = arith.constant 0 : i32
      %dma_wait3A_408 = tpu.memref_slice %arg3[%dma_wait3A_406, %dma_wait3A_407] : memref<1000000x64xf32, #tpu.memory_space<hbm>> -> memref<1000000x64xf32, #tpu.memory_space<hbm>>
      tpu.wait_indirect_dma semaphore(%arg8 : memref<!tpu.dma_semaphore, #tpu.memory_space<semaphore_mem>>) src(%dma_wait3A_408 : memref<1000000x64xf32, #tpu.memory_space<hbm>>) dst(%dma_wait3A_404 : memref<320x64xf32, #tpu.memory_space<vmem>>)
      %mul3A_409 = arith.constant 320 : i32
      %mul3A_410 = arith.muli %add3A_397, %mul3A_409 : i32
      %add3A_411 = arith.addi %mul3A_2, %mul3A_410 : i32
      %dma_start3A_412 = arith.constant 1 : i32
      %dma_start3A_413 = arith.constant 0 : i32
      %dma_start3A_414 = arith.constant 0 : i32
      %dma_start3A_415 = tpu.memref_slice %arg6[%dma_start3A_412, %dma_start3A_413, %dma_start3A_414] : memref<4x320x64xf32, #tpu.memory_space<vmem>> -> memref<1x320x64xf32, #tpu.memory_space<vmem>>
      %dma_start3A_416 = tpu.memref_squeeze %dma_start3A_415 : memref<1x320x64xf32, #tpu.memory_space<vmem>> -> memref<320x64xf32, #tpu.memory_space<vmem>>
      %dma_start3A_417 = arith.constant 0 : i32
      %dma_start3A_418 = tpu.memref_slice %arg4[%add3A_411, %dma_start3A_417] : memref<819200x64xf32, #tpu.memory_space<hbm>> -> memref<320x64xf32, #tpu.memory_space<hbm>>
      %dma_start3A_419 = arith.constant 0 : i32
      %dma_start3A_420 = tpu.memref_slice %arg4[%add3A_411, %dma_start3A_419] : memref<819200x64xf32, #tpu.memory_space<hbm>> -> memref<320x64xf32, #tpu.memory_space<hbm>>
      %dma_start3A_421 = arith.constant 0 : i32
      %dma_start3A_422 = arith.constant 0 : i32
      %dma_start3A_423 = tpu.memref_slice %arg6[%dma_start3A_412, %dma_start3A_421, %dma_start3A_422] : memref<4x320x64xf32, #tpu.memory_space<vmem>> -> memref<1x320x64xf32, #tpu.memory_space<vmem>>
      %dma_start3A_424 = tpu.memref_squeeze %dma_start3A_423 : memref<1x320x64xf32, #tpu.memory_space<vmem>> -> memref<320x64xf32, #tpu.memory_space<vmem>>
      tpu.enqueue_dma source(%dma_start3A_424 : memref<320x64xf32, #tpu.memory_space<vmem>>) target(%dma_start3A_420 : memref<320x64xf32, #tpu.memory_space<hbm>>) target_semaphore(%arg12 : memref<!tpu.dma_semaphore, #tpu.memory_space<semaphore_mem>>)
      %add3A_425 = arith.constant 2 : i32
      %add3A_426 = arith.addi %add3A_397, %add3A_425 : i32
      %sub3A_427 = arith.constant 4 : i32
      %sub3A_428 = arith.subi %add3A_426, %sub3A_427 : i32
      %mul3A_429 = arith.constant 320 : i32
      %mul3A_430 = arith.muli %sub3A_428, %mul3A_429 : i32
      %add3A_431 = arith.addi %mul3A_2, %mul3A_430 : i32
      %dma_wait3A_432 = arith.constant 3 : i32
      %dma_wait3A_433 = arith.constant 0 : i32
      %dma_wait3A_434 = arith.constant 0 : i32
      %dma_wait3A_435 = tpu.memref_slice %arg6[%dma_wait3A_432, %dma_wait3A_433, %dma_wait3A_434] : memref<4x320x64xf32, #tpu.memory_space<vmem>> -> memref<1x320x64xf32, #tpu.memory_space<vmem>>
      %dma_wait3A_436 = tpu.memref_squeeze %dma_wait3A_435 : memref<1x320x64xf32, #tpu.memory_space<vmem>> -> memref<320x64xf32, #tpu.memory_space<vmem>>
      %dma_wait3A_437 = arith.constant 0 : i32
      %dma_wait3A_438 = tpu.memref_slice %arg4[%add3A_431, %dma_wait3A_437] : memref<819200x64xf32, #tpu.memory_space<hbm>> -> memref<320x64xf32, #tpu.memory_space<hbm>>
      %dma_wait3A_439 = arith.constant 0 : i32
      %dma_wait3A_440 = tpu.memref_slice %arg4[%add3A_431, %dma_wait3A_439] : memref<819200x64xf32, #tpu.memory_space<hbm>> -> memref<320x64xf32, #tpu.memory_space<hbm>>
      %dma_wait3A_441 = arith.constant 0 : i32
      %dma_wait3A_442 = arith.constant 0 : i32
      %dma_wait3A_443 = tpu.memref_slice %arg6[%dma_wait3A_432, %dma_wait3A_441, %dma_wait3A_442] : memref<4x320x64xf32, #tpu.memory_space<vmem>> -> memref<1x320x64xf32, #tpu.memory_space<vmem>>
      %dma_wait3A_444 = tpu.memref_squeeze %dma_wait3A_443 : memref<1x320x64xf32, #tpu.memory_space<vmem>> -> memref<320x64xf32, #tpu.memory_space<vmem>>
      tpu.wait_dma2 semaphore(%arg14 : memref<!tpu.dma_semaphore, #tpu.memory_space<semaphore_mem>>) src(%dma_wait3A_444 : memref<320x64xf32, #tpu.memory_space<vmem>>) dst(%dma_wait3A_440 : memref<320x64xf32, #tpu.memory_space<hbm>>)
      %add3A_445 = arith.constant 2 : i32
      %add3A_446 = arith.addi %add3A_397, %add3A_445 : i32
      %mul3A_447 = arith.constant 320 : i32
      %mul3A_448 = arith.muli %add3A_446, %mul3A_447 : i32
      %dma_start3A_449 = arith.constant 3 : i32
      %dma_start3A_450 = arith.constant 0 : i32
      %dma_start3A_451 = arith.constant 0 : i32
      %dma_start3A_452 = tpu.memref_slice %arg6[%dma_start3A_449, %dma_start3A_450, %dma_start3A_451] : memref<4x320x64xf32, #tpu.memory_space<vmem>> -> memref<1x320x64xf32, #tpu.memory_space<vmem>>
      %dma_start3A_453 = tpu.memref_squeeze %dma_start3A_452 : memref<1x320x64xf32, #tpu.memory_space<vmem>> -> memref<320x64xf32, #tpu.memory_space<vmem>>
      %dma_start3A_454 = tpu.memref_slice %arg5[%mul3A_448] : memref<25600xi32, #tpu.memory_space<vmem>> -> memref<320xi32, #tpu.memory_space<vmem>>
      %dma_start3A_455 = arith.constant 0 : i32
      %dma_start3A_456 = arith.constant 0 : i32
      %dma_start3A_457 = tpu.memref_slice %arg3[%dma_start3A_455, %dma_start3A_456] : memref<1000000x64xf32, #tpu.memory_space<hbm>> -> memref<1000000x64xf32, #tpu.memory_space<hbm>>
      tpu.enqueue_indirect_dma source(%dma_start3A_457 : memref<1000000x64xf32, #tpu.memory_space<hbm>>) target(%dma_start3A_453 : memref<320x64xf32, #tpu.memory_space<vmem>>) offsets(%dma_start3A_454 : memref<320xi32, #tpu.memory_space<vmem>>) semaphore(%arg10 : memref<!tpu.dma_semaphore, #tpu.memory_space<semaphore_mem>>)
    }
    %scan3A_95 = arith.constant 19 : i32
    %dma_wait3A_96 = arith.constant 2 : i32
    %dma_wait3A_97 = arith.constant 0 : i32
    %dma_wait3A_98 = arith.constant 0 : i32
    %dma_wait3A_99 = tpu.memref_slice %arg6[%dma_wait3A_96, %dma_wait3A_97, %dma_wait3A_98] : memref<4x320x64xf32, #tpu.memory_space<vmem>> -> memref<1x320x64xf32, #tpu.memory_space<vmem>>
    %dma_wait3A_100 = tpu.memref_squeeze %dma_wait3A_99 : memref<1x320x64xf32, #tpu.memory_space<vmem>> -> memref<320x64xf32, #tpu.memory_space<vmem>>
    %dma_wait3A_101 = arith.constant 24960 : i32
    %dma_wait3A_102 = tpu.memref_slice %arg5[%dma_wait3A_101] : memref<25600xi32, #tpu.memory_space<vmem>> -> memref<320xi32, #tpu.memory_space<vmem>>
    %dma_wait3A_103 = arith.constant 0 : i32
    %dma_wait3A_104 = arith.constant 0 : i32
    %dma_wait3A_105 = tpu.memref_slice %arg3[%dma_wait3A_103, %dma_wait3A_104] : memref<1000000x64xf32, #tpu.memory_space<hbm>> -> memref<1000000x64xf32, #tpu.memory_space<hbm>>
    tpu.wait_indirect_dma semaphore(%arg9 : memref<!tpu.dma_semaphore, #tpu.memory_space<semaphore_mem>>) src(%dma_wait3A_105 : memref<1000000x64xf32, #tpu.memory_space<hbm>>) dst(%dma_wait3A_100 : memref<320x64xf32, #tpu.memory_space<vmem>>)
    %add3A_106 = arith.constant 24960 : i32
    %add3A_107 = arith.addi %mul3A_2, %add3A_106 : i32
    %dma_start3A_108 = arith.constant 2 : i32
    %dma_start3A_109 = arith.constant 0 : i32
    %dma_start3A_110 = arith.constant 0 : i32
    %dma_start3A_111 = tpu.memref_slice %arg6[%dma_start3A_108, %dma_start3A_109, %dma_start3A_110] : memref<4x320x64xf32, #tpu.memory_space<vmem>> -> memref<1x320x64xf32, #tpu.memory_space<vmem>>
    %dma_start3A_112 = tpu.memref_squeeze %dma_start3A_111 : memref<1x320x64xf32, #tpu.memory_space<vmem>> -> memref<320x64xf32, #tpu.memory_space<vmem>>
    %dma_start3A_113 = arith.constant 0 : i32
    %dma_start3A_114 = tpu.memref_slice %arg4[%add3A_107, %dma_start3A_113] : memref<819200x64xf32, #tpu.memory_space<hbm>> -> memref<320x64xf32, #tpu.memory_space<hbm>>
    %dma_start3A_115 = arith.constant 0 : i32
    %dma_start3A_116 = tpu.memref_slice %arg4[%add3A_107, %dma_start3A_115] : memref<819200x64xf32, #tpu.memory_space<hbm>> -> memref<320x64xf32, #tpu.memory_space<hbm>>
    %dma_start3A_117 = arith.constant 0 : i32
    %dma_start3A_118 = arith.constant 0 : i32
    %dma_start3A_119 = tpu.memref_slice %arg6[%dma_start3A_108, %dma_start3A_117, %dma_start3A_118] : memref<4x320x64xf32, #tpu.memory_space<vmem>> -> memref<1x320x64xf32, #tpu.memory_space<vmem>>
    %dma_start3A_120 = tpu.memref_squeeze %dma_start3A_119 : memref<1x320x64xf32, #tpu.memory_space<vmem>> -> memref<320x64xf32, #tpu.memory_space<vmem>>
    tpu.enqueue_dma source(%dma_start3A_120 : memref<320x64xf32, #tpu.memory_space<vmem>>) target(%dma_start3A_116 : memref<320x64xf32, #tpu.memory_space<hbm>>) target_semaphore(%arg13 : memref<!tpu.dma_semaphore, #tpu.memory_space<semaphore_mem>>)
    %dma_wait3A_121 = arith.constant 3 : i32
    %dma_wait3A_122 = arith.constant 0 : i32
    %dma_wait3A_123 = arith.constant 0 : i32
    %dma_wait3A_124 = tpu.memref_slice %arg6[%dma_wait3A_121, %dma_wait3A_122, %dma_wait3A_123] : memref<4x320x64xf32, #tpu.memory_space<vmem>> -> memref<1x320x64xf32, #tpu.memory_space<vmem>>
    %dma_wait3A_125 = tpu.memref_squeeze %dma_wait3A_124 : memref<1x320x64xf32, #tpu.memory_space<vmem>> -> memref<320x64xf32, #tpu.memory_space<vmem>>
    %dma_wait3A_126 = arith.constant 25280 : i32
    %dma_wait3A_127 = tpu.memref_slice %arg5[%dma_wait3A_126] : memref<25600xi32, #tpu.memory_space<vmem>> -> memref<320xi32, #tpu.memory_space<vmem>>
    %dma_wait3A_128 = arith.constant 0 : i32
    %dma_wait3A_129 = arith.constant 0 : i32
    %dma_wait3A_130 = tpu.memref_slice %arg3[%dma_wait3A_128, %dma_wait3A_129] : memref<1000000x64xf32, #tpu.memory_space<hbm>> -> memref<1000000x64xf32, #tpu.memory_space<hbm>>
    tpu.wait_indirect_dma semaphore(%arg10 : memref<!tpu.dma_semaphore, #tpu.memory_space<semaphore_mem>>) src(%dma_wait3A_130 : memref<1000000x64xf32, #tpu.memory_space<hbm>>) dst(%dma_wait3A_125 : memref<320x64xf32, #tpu.memory_space<vmem>>)
    %add3A_131 = arith.constant 25280 : i32
    %add3A_132 = arith.addi %mul3A_2, %add3A_131 : i32
    %dma_start3A_133 = arith.constant 3 : i32
    %dma_start3A_134 = arith.constant 0 : i32
    %dma_start3A_135 = arith.constant 0 : i32
    %dma_start3A_136 = tpu.memref_slice %arg6[%dma_start3A_133, %dma_start3A_134, %dma_start3A_135] : memref<4x320x64xf32, #tpu.memory_space<vmem>> -> memref<1x320x64xf32, #tpu.memory_space<vmem>>
    %dma_start3A_137 = tpu.memref_squeeze %dma_start3A_136 : memref<1x320x64xf32, #tpu.memory_space<vmem>> -> memref<320x64xf32, #tpu.memory_space<vmem>>
    %dma_start3A_138 = arith.constant 0 : i32
    %dma_start3A_139 = tpu.memref_slice %arg4[%add3A_132, %dma_start3A_138] : memref<819200x64xf32, #tpu.memory_space<hbm>> -> memref<320x64xf32, #tpu.memory_space<hbm>>
    %dma_start3A_140 = arith.constant 0 : i32
    %dma_start3A_141 = tpu.memref_slice %arg4[%add3A_132, %dma_start3A_140] : memref<819200x64xf32, #tpu.memory_space<hbm>> -> memref<320x64xf32, #tpu.memory_space<hbm>>
    %dma_start3A_142 = arith.constant 0 : i32
    %dma_start3A_143 = arith.constant 0 : i32
    %dma_start3A_144 = tpu.memref_slice %arg6[%dma_start3A_133, %dma_start3A_142, %dma_start3A_143] : memref<4x320x64xf32, #tpu.memory_space<vmem>> -> memref<1x320x64xf32, #tpu.memory_space<vmem>>
    %dma_start3A_145 = tpu.memref_squeeze %dma_start3A_144 : memref<1x320x64xf32, #tpu.memory_space<vmem>> -> memref<320x64xf32, #tpu.memory_space<vmem>>
    tpu.enqueue_dma source(%dma_start3A_145 : memref<320x64xf32, #tpu.memory_space<vmem>>) target(%dma_start3A_141 : memref<320x64xf32, #tpu.memory_space<hbm>>) target_semaphore(%arg14 : memref<!tpu.dma_semaphore, #tpu.memory_space<semaphore_mem>>)
    %add3A_146 = arith.constant 24320 : i32
    %add3A_147 = arith.addi %mul3A_2, %add3A_146 : i32
    %dma_wait3A_148 = arith.constant 0 : i32
    %dma_wait3A_149 = arith.constant 0 : i32
    %dma_wait3A_150 = arith.constant 0 : i32
    %dma_wait3A_151 = tpu.memref_slice %arg6[%dma_wait3A_148, %dma_wait3A_149, %dma_wait3A_150] : memref<4x320x64xf32, #tpu.memory_space<vmem>> -> memref<1x320x64xf32, #tpu.memory_space<vmem>>
    %dma_wait3A_152 = tpu.memref_squeeze %dma_wait3A_151 : memref<1x320x64xf32, #tpu.memory_space<vmem>> -> memref<320x64xf32, #tpu.memory_space<vmem>>
    %dma_wait3A_153 = arith.constant 0 : i32
    %dma_wait3A_154 = tpu.memref_slice %arg4[%add3A_147, %dma_wait3A_153] : memref<819200x64xf32, #tpu.memory_space<hbm>> -> memref<320x64xf32, #tpu.memory_space<hbm>>
    %dma_wait3A_155 = arith.constant 0 : i32
    %dma_wait3A_156 = tpu.memref_slice %arg4[%add3A_147, %dma_wait3A_155] : memref<819200x64xf32, #tpu.memory_space<hbm>> -> memref<320x64xf32, #tpu.memory_space<hbm>>
    %dma_wait3A_157 = arith.constant 0 : i32
    %dma_wait3A_158 = arith.constant 0 : i32
    %dma_wait3A_159 = tpu.memref_slice %arg6[%dma_wait3A_148, %dma_wait3A_157, %dma_wait3A_158] : memref<4x320x64xf32, #tpu.memory_space<vmem>> -> memref<1x320x64xf32, #tpu.memory_space<vmem>>
    %dma_wait3A_160 = tpu.memref_squeeze %dma_wait3A_159 : memref<1x320x64xf32, #tpu.memory_space<vmem>> -> memref<320x64xf32, #tpu.memory_space<vmem>>
    tpu.wait_dma2 semaphore(%arg11 : memref<!tpu.dma_semaphore, #tpu.memory_space<semaphore_mem>>) src(%dma_wait3A_160 : memref<320x64xf32, #tpu.memory_space<vmem>>) dst(%dma_wait3A_156 : memref<320x64xf32, #tpu.memory_space<hbm>>)
    %add3A_161 = arith.constant 24640 : i32
    %add3A_162 = arith.addi %mul3A_2, %add3A_161 : i32
    %dma_wait3A_163 = arith.constant 1 : i32
    %dma_wait3A_164 = arith.constant 0 : i32
    %dma_wait3A_165 = arith.constant 0 : i32
    %dma_wait3A_166 = tpu.memref_slice %arg6[%dma_wait3A_163, %dma_wait3A_164, %dma_wait3A_165] : memref<4x320x64xf32, #tpu.memory_space<vmem>> -> memref<1x320x64xf32, #tpu.memory_space<vmem>>
    %dma_wait3A_167 = tpu.memref_squeeze %dma_wait3A_166 : memref<1x320x64xf32, #tpu.memory_space<vmem>> -> memref<320x64xf32, #tpu.memory_space<vmem>>
    %dma_wait3A_168 = arith.constant 0 : i32
    %dma_wait3A_169 = tpu.memref_slice %arg4[%add3A_162, %dma_wait3A_168] : memref<819200x64xf32, #tpu.memory_space<hbm>> -> memref<320x64xf32, #tpu.memory_space<hbm>>
    %dma_wait3A_170 = arith.constant 0 : i32
    %dma_wait3A_171 = tpu.memref_slice %arg4[%add3A_162, %dma_wait3A_170] : memref<819200x64xf32, #tpu.memory_space<hbm>> -> memref<320x64xf32, #tpu.memory_space<hbm>>
    %dma_wait3A_172 = arith.constant 0 : i32
    %dma_wait3A_173 = arith.constant 0 : i32
    %dma_wait3A_174 = tpu.memref_slice %arg6[%dma_wait3A_163, %dma_wait3A_172, %dma_wait3A_173] : memref<4x320x64xf32, #tpu.memory_space<vmem>> -> memref<1x320x64xf32, #tpu.memory_space<vmem>>
    %dma_wait3A_175 = tpu.memref_squeeze %dma_wait3A_174 : memref<1x320x64xf32, #tpu.memory_space<vmem>> -> memref<320x64xf32, #tpu.memory_space<vmem>>
    tpu.wait_dma2 semaphore(%arg12 : memref<!tpu.dma_semaphore, #tpu.memory_space<semaphore_mem>>) src(%dma_wait3A_175 : memref<320x64xf32, #tpu.memory_space<vmem>>) dst(%dma_wait3A_171 : memref<320x64xf32, #tpu.memory_space<hbm>>)
    %add3A_176 = arith.constant 24960 : i32
    %add3A_177 = arith.addi %mul3A_2, %add3A_176 : i32
    %dma_wait3A_178 = arith.constant 2 : i32
    %dma_wait3A_179 = arith.constant 0 : i32
    %dma_wait3A_180 = arith.constant 0 : i32
    %dma_wait3A_181 = tpu.memref_slice %arg6[%dma_wait3A_178, %dma_wait3A_179, %dma_wait3A_180] : memref<4x320x64xf32, #tpu.memory_space<vmem>> -> memref<1x320x64xf32, #tpu.memory_space<vmem>>
    %dma_wait3A_182 = tpu.memref_squeeze %dma_wait3A_181 : memref<1x320x64xf32, #tpu.memory_space<vmem>> -> memref<320x64xf32, #tpu.memory_space<vmem>>
    %dma_wait3A_183 = arith.constant 0 : i32
    %dma_wait3A_184 = tpu.memref_slice %arg4[%add3A_177, %dma_wait3A_183] : memref<819200x64xf32, #tpu.memory_space<hbm>> -> memref<320x64xf32, #tpu.memory_space<hbm>>
    %dma_wait3A_185 = arith.constant 0 : i32
    %dma_wait3A_186 = tpu.memref_slice %arg4[%add3A_177, %dma_wait3A_185] : memref<819200x64xf32, #tpu.memory_space<hbm>> -> memref<320x64xf32, #tpu.memory_space<hbm>>
    %dma_wait3A_187 = arith.constant 0 : i32
    %dma_wait3A_188 = arith.constant 0 : i32
    %dma_wait3A_189 = tpu.memref_slice %arg6[%dma_wait3A_178, %dma_wait3A_187, %dma_wait3A_188] : memref<4x320x64xf32, #tpu.memory_space<vmem>> -> memref<1x320x64xf32, #tpu.memory_space<vmem>>
    %dma_wait3A_190 = tpu.memref_squeeze %dma_wait3A_189 : memref<1x320x64xf32, #tpu.memory_space<vmem>> -> memref<320x64xf32, #tpu.memory_space<vmem>>
    tpu.wait_dma2 semaphore(%arg13 : memref<!tpu.dma_semaphore, #tpu.memory_space<semaphore_mem>>) src(%dma_wait3A_190 : memref<320x64xf32, #tpu.memory_space<vmem>>) dst(%dma_wait3A_186 : memref<320x64xf32, #tpu.memory_space<hbm>>)
    %add3A_191 = arith.constant 25280 : i32
    %add3A_192 = arith.addi %mul3A_2, %add3A_191 : i32
    %dma_wait3A_193 = arith.constant 3 : i32
    %dma_wait3A_194 = arith.constant 0 : i32
    %dma_wait3A_195 = arith.constant 0 : i32
    %dma_wait3A_196 = tpu.memref_slice %arg6[%dma_wait3A_193, %dma_wait3A_194, %dma_wait3A_195] : memref<4x320x64xf32, #tpu.memory_space<vmem>> -> memref<1x320x64xf32, #tpu.memory_space<vmem>>
    %dma_wait3A_197 = tpu.memref_squeeze %dma_wait3A_196 : memref<1x320x64xf32, #tpu.memory_space<vmem>> -> memref<320x64xf32, #tpu.memory_space<vmem>>
    %dma_wait3A_198 = arith.constant 0 : i32
    %dma_wait3A_199 = tpu.memref_slice %arg4[%add3A_192, %dma_wait3A_198] : memref<819200x64xf32, #tpu.memory_space<hbm>> -> memref<320x64xf32, #tpu.memory_space<hbm>>
    %dma_wait3A_200 = arith.constant 0 : i32
    %dma_wait3A_201 = tpu.memref_slice %arg4[%add3A_192, %dma_wait3A_200] : memref<819200x64xf32, #tpu.memory_space<hbm>> -> memref<320x64xf32, #tpu.memory_space<hbm>>
    %dma_wait3A_202 = arith.constant 0 : i32
    %dma_wait3A_203 = arith.constant 0 : i32
    %dma_wait3A_204 = tpu.memref_slice %arg6[%dma_wait3A_193, %dma_wait3A_202, %dma_wait3A_203] : memref<4x320x64xf32, #tpu.memory_space<vmem>> -> memref<1x320x64xf32, #tpu.memory_space<vmem>>
    %dma_wait3A_205 = tpu.memref_squeeze %dma_wait3A_204 : memref<1x320x64xf32, #tpu.memory_space<vmem>> -> memref<320x64xf32, #tpu.memory_space<vmem>>
    tpu.wait_dma2 semaphore(%arg14 : memref<!tpu.dma_semaphore, #tpu.memory_space<semaphore_mem>>) src(%dma_wait3A_205 : memref<320x64xf32, #tpu.memory_space<vmem>>) dst(%dma_wait3A_201 : memref<320x64xf32, #tpu.memory_space<hbm>>)
    return
  }
}

</mosaic_0001>

<sc_bundles>
// kernel: kernel.3.cloned.1.call-start
scs
__scs_entry_jumppad:
0x0: {  	(pc) =	sbr.rel $0x88, $3  }
0x1: {  	(tag) =	ssettag $0x0;
	lr =	simm.s32 $0x1  }
0x2: {  	[smem:$0x3F9F] =	sst lr;
	_ =	strace $0xD0000000  }
0x3: {  	_ = 	snop  }
0x4: {  	_ = 	snop  }
0x5: {  	_ = 	snop  }
0x6: {  	_ = 	snop  }
0x7: {  	_ = 	snop  }
__scs_overlays_trampoline_lowered:
0x8: {  	[smem:$0x3FAE] =	sst s0  }
0x9: {  	[smem:$0x3FAF] =	sst s1  }
0xa: {  	[smem:$0x3FB0] =	sst s2  }
0xb: {  	[smem:$0x3FB1] =	sst s3  }
0xc: {  	[smem:$0x3FB2] =	sst s4  }
0xd: {  	[smem:$0x3FB3] =	sst s5  }
0xe: {  	[smem:$0x3FB4] =	sst s6  }
0xf: {  	[smem:$0x3FB5] =	sst s7  }
0x10: {  	[smem:$0x3FB6] =	sst s8  }
0x11: {  	[smem:$0x3FB7] =	sst s9;
	s0 =	simm.s32 @!p0 $0x0  }
0x12: {  	s1 =	sld [smem:$0x3F9D];
	s0 =	simm.s32 @p0 $0x1  }
0x13: {  	[smem:$0x3FB8] =	sst s0;
	s0 =	simm.s32 @!p1 $0x0  }
0x14: {  	s2 =	sld [smem:$0x3F9C];
	s0 =	simm.s32 @p1 $0x1  }
0x15: {  	[smem:$0x3FB9] =	sst s0;
	s0 =	simm.s32 @!p2 $0x0  }
0x16: {  	s3 =	sld [smem:$0x3FDB];
	s0 =	simm.s32 @p2 $0x1  }
0x17: {  	s4 =	simm.s32 $0x1BF5;
	[smem:$0x3FBB] =	sst s0  }
0x18: {  	s0 =	sld [smem:$0x3F9E];
	_ =	swait.ge [sflag:s4], $0x0  }
0x19: {  	s7 =	sld [smem:$0x3F9F]  }
0x1a: {  	s8 =	sadd.s32 $0xFFFFE003, lr  }
0x1b: {  	s9 =	sadd.s32 $0xFFFFFEF7, lr;
	s5 =	simm.s32 $0xFFFFFFFF;
	p2 =	slt.u32 s8, $0xFFFFF086  }
0x1c: {  	p1 =	slt.u32 s9, $0xF7A;
	s5 =	simm.s32 @!p2 $0x0  }
0x1d: {  	s5 =	simm.s32 @p1 $0x1;
	p0 =	seq.s32 s7, s2  }
0x1e: {  	s7 =	smul.u32 @!p0 $0xF7A, s2;
	p2 =	seq.s32 @!p0 s5, $0x0  }
0x1f: {  	s9 =	smul.u32 $0xF7A, s1;
	s8 =	simm.s32 @!p0 $0x1BF5;
	p2 =	por !p2, p0  }
0x20: {  	[sflag:s8] =	ssyncset.s32 @!p0 $0xFFFFF086;
	s6 =	sadd.s32 @!p0 s3, s7;
	s7 =	simm.s32 @!p0 $0x108  }
0x21: {  	s3 =	sadd.s32 s3, s9;
	s6 =	sadd.s32 @!p0 $0x88, s6;
	s7 =	simm.s32 @p2 $0x1082  }
0x22: {  	[simem:s7], [sflag:s8] =	dma.local @!p0 [hbm:s6], $0xF7A  }
0x23: {  	s9 =	sor.u32 $0xD0000000, s2;
	s6 =	simm.s32 $0x108;
	_ =	swait.ge @!p0 [sflag:s8], $0x0  }
0x24: {  	s3 =	sadd.s32 $0x88, s3;
	s6 =	simm.s32 @!p1 $0x1082;
	[sflag:s4] =	ssyncset.s32 $0xFFFFF086  }
0x25: {  	[simem:s6], [sflag:s4] =	dma.local [hbm:s3], $0xF7A  }
0x26: {  	[smem:$0x3F9F] =	sst s1;
	(tag) =	ssettag s2;
	_ =	strace s9  }
0x27: {  	s1 =	sld [smem:$0x3FAF]  }
0x28: {  	s2 =	sld [smem:$0x3FB0]  }
0x29: {  	s4 =	sld [smem:$0x3FB2]  }
0x2a: {  	p0 =	seq.s32 s5, $0x0;
	s5 =	sld [smem:$0x3FB3]  }
0x2b: {  	s6 =	sld [smem:$0x3FB4]  }
0x2c: {  	s7 =	sld [smem:$0x3FB5]  }
0x2d: {  	s3 =	simm.s32 $0x108;
	s8 =	sld [smem:$0x3FB6]  }
0x2e: {  	s3 =	simm.s32 @!p0 $0x1082;
	s9 =	sld [smem:$0x3FB7]  }
0x2f: {  	lr =	sadd.s32 s0, s3;
	s0 =	sld [smem:$0x3FAE]  }
0x30: {  	s3 =	sld [smem:$0x3FB1]  }
0x31: {  	[smem:$0x3FBA] =	sst s10  }
0x32: {  	s10 =	sld [smem:$0x3FB8];
	_ =	sdelay $0x3  }
0x33: {  	p0 =	seq.s32 s10, $0x1;
	s10 =	sld [smem:$0x3FBA];
	_ =	sdelay $0x3  }
0x34: {  	[smem:$0x3FBA] =	sst s10  }
0x35: {  	s10 =	sld [smem:$0x3FB9];
	_ =	sdelay $0x3  }
0x36: {  	p1 =	seq.s32 s10, $0x1;
	s10 =	sld [smem:$0x3FBA];
	_ =	sdelay $0x3  }
0x37: {  	[smem:$0x3FBA] =	sst s10  }
0x38: {  	s10 =	sld [smem:$0x3FBB]  }
0x39: {  	_ = 	snop;
	(pc) =	sbr.ind lr, $3  }
0x3a: {  	_ = 	snop  }
0x3b: {  	_ = 	snop  }
0x3c: {  	p2 =	seq.s32 s10, $0x1;
	s10 =	sld [smem:$0x3FBA]  }
0x3d: {  	_ =	shalt  }
0x3e: {  	_ =	shalt  }
0x3f: {  	_ =	shalt  }
0x40: {  	_ =	shalt  }
0x41: {  	_ =	shalt  }
0x42: {  	_ =	shalt  }
0x43: {  	_ =	shalt  }
0x44: {  	_ =	shalt  }
0x45: {  	_ =	shalt  }
0x46: {  	_ =	shalt  }
0x47: {  	_ =	shalt  }
0x48: {  	_ =	shalt  }
0x49: {  	_ =	shalt  }
0x4a: {  	_ =	shalt  }
0x4b: {  	_ =	shalt  }
0x4c: {  	_ =	shalt  }
0x4d: {  	_ =	shalt  }
0x4e: {  	_ =	shalt  }
0x4f: {  	_ =	shalt  }
0x50: {  	_ =	shalt  }
0x51: {  	_ =	shalt  }
0x52: {  	_ =	shalt  }
0x53: {  	_ =	shalt  }
0x54: {  	_ =	shalt  }
0x55: {  	_ =	shalt  }
0x56: {  	_ =	shalt  }
0x57: {  	_ =	shalt  }
0x58: {  	_ =	shalt  }
0x59: {  	_ =	shalt  }
0x5a: {  	_ =	shalt  }
0x5b: {  	_ =	shalt  }
0x5c: {  	_ =	shalt  }
0x5d: {  	_ =	shalt  }
0x5e: {  	_ =	shalt  }
0x5f: {  	_ =	shalt  }
0x60: {  	_ =	shalt  }
0x61: {  	_ =	shalt  }
0x62: {  	_ =	shalt  }
0x63: {  	_ =	shalt  }
0x64: {  	_ =	shalt  }
0x65: {  	_ =	shalt  }
0x66: {  	_ =	shalt  }
0x67: {  	_ =	shalt  }
0x68: {  	_ =	shalt  }
0x69: {  	_ =	shalt  }
0x6a: {  	_ =	shalt  }
0x6b: {  	_ =	shalt  }
0x6c: {  	_ =	shalt  }
0x6d: {  	_ =	shalt  }
0x6e: {  	_ =	shalt  }
0x6f: {  	_ =	shalt  }
0x70: {  	_ =	shalt  }
0x71: {  	_ =	shalt  }
0x72: {  	_ =	shalt  }
0x73: {  	_ =	shalt  }
0x74: {  	_ =	shalt  }
0x75: {  	_ =	shalt  }
0x76: {  	_ =	shalt  }
0x77: {  	_ =	shalt  }
0x78: {  	_ =	shalt  }
0x79: {  	_ =	shalt  }
0x7a: {  	_ =	shalt  }
0x7b: {  	_ =	shalt  }
0x7c: {  	_ =	shalt  }
0x7d: {  	_ =	shalt  }
0x7e: {  	_ =	shalt  }
0x7f: {  	_ =	shalt  }
0x80: {  	_ =	shalt  }
0x81: {  	_ =	shalt  }
0x82: {  	_ =	shalt  }
0x83: {  	_ =	shalt  }
0x84: {  	_ =	shalt  }
0x85: {  	_ =	shalt  }
0x86: {  	_ =	shalt  }
0x87: {  	_ =	shalt  }
.Lfunc_end0:
.L_simem_size_0:
called_computation.1_lowered:
.L_overlay_start_0:
0x88: {  	s2 =	sld [smem:$0x3FD9]  }
0x89: {  	s3 =	sld [smem:$0x3FFE];
	_ =	sdelay $0x1  }
0x8a: {  	s1 =	srdreg.scid  }
0x8b: {  	s0 =	sand.u32 $0x1, s1  }
0x8c: {  	s17 =	sshll.u32 s0, $0xA;
	s2 =	sadd.s32 s3, s2  }
0x8d: {  	s2 =	sadd.s32 s2, s17  }
0x8e: {  	[smem:$0x3FC6] =	sst s2  }
0x8f: {  	_ = 	snop  }
0x90: {  	s2 =	sld [smem:$0x3FD0];
	(tm) =	ssettm $0x1  }
0x91: {  	s18 =	sld [smem:$0x3FFB];
	_ =	sdelay $0x3  }
0x92: {  	_ =	strace s18  }
0x93: {  	s3 =	sld [smem:$0x3FFC];
	_ =	sdelay $0x3  }
0x94: {  	_ =	strace s3  }
0x95: {  	s3 =	sld [smem:$0x3FFD];
	_ =	sdelay $0x3  }
0x96: {  	_ =	strace s3  }
0x97: {  	_ =	strace $0x8FFFFFFF  }
0x98: {  	s19 =	sld [smem:$0x3FDB];
	_ =	sdelay $0x1  }
0x99: {  	s4 =	simm.s32 $_scs_section_size  }
0x9a: {  	s5 =	simm.s32 $_size__tile_overlayer_lowered;
	s6 =	simm.s32 $_tile_overlayer_lowered  }
0x9b: {  	s22 =	simm.s32 $0x1BFF;
	s21 =	sshll.u32 s6, $0x1;
	s3 =	sadd.s32 s4, s19  }
0x9c: {  	s7 =	simm.s32 $0x0;
	s20 =	sshll.u32 s5, $0x1;
	s5 =	sadd.s32 s21, s3  }
0x9d: {  	[timem:s7], [sflag:s22] =	dma.local [hbm:s5], s20  }
0x9e: {  	_ =	swait.ge [sflag:s22], s20  }
0x9f: {  	s4 =	ssub.s32 $0x0, s20;
	[sflag:s22] =	ssyncset.done $0x0  }
0xa0: {  	[sflag:s22] =	ssyncadd.s32 s4;
	_ =	sdelay $0x1  }
0xa1: {  	s23 =	simm.s32 $0x1B8B  }
0xa2: {  	_ =	swait.ge [sflag:s23], $0x1  }
0xa3: {  	[sflag:s23] =	ssyncset.done $0x0  }
0xa4: {  	s25 =	simm.s32 $0x1B8E;
	s24 =	sld [smem:$0x3FFE];
	[sflag:s23] =	ssyncadd.s32 $0xFFFFFFFF  }
0xa5: {  	s26 =	simm.s32 $execute0_lowered;
	[smem:$0x3FD2] =	sst s25  }
0xa6: {  	s5 =	sshll.u32 s26, $0x1;
	_ =	strace $0x80000046;
	[dreg:$0x1] =	wrdreg $0xFFFFFFFF  }
0xa7: {  	s28 =	simm.s32 $_size_execute0_lowered;
	s3 =	sadd.s32 s3, s5;
	[dreg:$0x0] =	wrdreg $0x0  }
0xa8: {  	s5 =	sshll.u32 s28, $0x1;
	[dreg:$0x2] =	wrdreg s3  }
0xa9: {  	[dreg:$0x3] =	wrdreg s5  }
0xaa: {  	[dreg:$0x4] =	wrdreg $0xC0  }
0xab: {  	_ =	task [dreg:s7], $0x5FFFF  }
0xac: {  	[dreg:$0x1] =	wrdreg $0xFFFFFFFF  }
0xad: {  	[dreg:$0x0] =	wrdreg $0x60  }
0xae: {  	[dreg:$0x2] =	wrdreg s24  }
0xaf: {  	[dreg:$0x3] =	wrdreg s2  }
0xb0: {  	[dreg:$0x4] =	wrdreg $0x9  }
0xb1: {  	_ =	task.clear_ibuf [dreg:s7], $0x5FFFF;
	_ =	strace $0x90000046  }
0xb2: {  	s29 =	simm.s32 $0x9;
	_ =	strace $0x80000048  }
0xb3: {  	_ =	swait.ge [sflag:s29], $0x1  }
0xb4: {  	[sflag:s29] =	ssyncadd.s32 $0xFFFFFFFF  }
0xb5: {  	_ =	strace $0x90000048  }
0xb6: {  	_ =	sfence  }
0xb7: {  	s30 =	sld [smem:$0x0];
	_ =	sdelay $0x2  }
0xb8: {  	s31 =	sshll.u32 s1, $0xD;
	s1 =	sshrl.u32 s1, $0x2  }
0xb9: {  	s3 =	sand.u32 $0x4000, s31;
	s1 =	sadd.s32 s1, s30  }
0xba: {  	s0 =	sor.u32 s3, s0;
	s1 =	sshll.u32 s1, $0x11  }
0xbb: {  	s0 =	sor.u32 s1, s0  }
0xbc: {  	s0 =	sadd.s32 $0x8F2B, s0  }
0xbd: {  	[sflag:s0] =	ssyncadd.remote.s32 $0x1  }
0xbe: {  	_ =	sfence.sel $0xFFFF  }
0xbf: {  	[dreg:$0x0] =	wrdreg $0xFFFFFFFF;
	(pc) =	sbr.abs _section_cstart, $3  }
0xc0: {  	[dreg:$0x1] =	wrdreg $0xFFFFFFFF  }
0xc1: {  	_ =	task.clear_ibuf [dreg:s7], $0x2FFFF;
	_ =	strace $0x9FFFFFFF  }
0xc2: {  	(tm) =	ssettm $0x7FFFFFFF  }
0xc3: {  	_ =	shalt  }
tec
execute0_lowered:
.L_overlay_start_1:
0x0: {  	(tag) =	ssettag $0x1  }
0x1: {  	s0 =	srdreg.scid  }
0x2: {  	s9 =	stileid.u32;
	s1 =	rddreg [dreg:$0x0]  }
0x3: {  	s4 =	rddreg [dreg:$0x1];
	s14 =	simm.s32 $0x9;
	s15 =	simm.s32 $0x140  }
0x4: {  	s16 =	simm.s32 $0x6400;
	s17 =	simm.s32 $0xB400;
	s18 =	simm.s32 $0x1  }
0x5: {  	s20 =	simm.s32 $0x10400;
	s21 =	simm.s32 $0x2;
	s28 =	simm.s32 $0x6  }
0x6: {  	s0 =	sand.u32 $0x1, s0;
	s2 =	sshll.u32 s9, $0x1;
	s9 =	smul.u32 $0xC800, s9  }
0x7: {  	s3 =	sor.u32 s0, s2;
	s8 =	ssub.s32 $0x2, s0;
	s0 =	smul.u32 $0x6400, s0  }
0x8: {  	s29 =	simm.s32 $0x7;
	s30 =	simm.s32 $0x8;
	s5 =	smul.u32 $0x6400, s3  }
0x9: {  	s31 =	simm.s32 $0x0;
	s2 =	simm.s32 $0x0;
	s6 =	smul.u32 $0x32000, s3  }
0xa: {  	[smem:$0x7FF] =	sst s2;
	s7 =	smul.u32 $0x190000, s3;
	s3 =	sadd.s32 $0xF42E00, s1  }
0xb: {  	s23 =	sshrl.u32 s8, $0x1;
	_ =	strace $0x80000047;
	s0 =	sadd.s32 s0, s9  }
0xc: {  	s5 =	sshrl.u32 s5, $0x3;
	s7 =	sshrl.u32 s7, $0x3;
	s0 =	sshll.u32 s0, $0x3  }
0xd: {  	s5 =	sadd.s32 s5, s1;
	s1 =	ssub.s32 s8, s23;
	s24 =	sadd.s32 s4, s7  }
0xe: {  	s0 =	sadd.s32 s4, s0;
	s23 =	simm.s32 $0x15400;
	s5 =	sadd.s32 $0xA00, s5  }
0xf: {  	s26 =	sadd.s32 $0x30C00, s24;
	s8 =	sadd.s32 $0x31600, s24;
	s9 =	smax.u32 s1, $0x1  }
0x10: {  	s10 =	sadd.s32 $0x1E00, s0;
	s11 =	sadd.s32 $0x1400, s0;
	s12 =	sadd.s32 $0x3200, s0  }
0x11: {  	s13 =	sadd.s32 $0x2800, s0;
	[dreg:$0x3] =	wrdreg s5;
	s5 =	sadd.s32 s4, s6  }
0x12: {  	s24 =	simm.s32 $0x3;
	[dreg:$0x5] =	wrdreg s26;
	s25 =	sadd.s32 $0xA00, s5  }
0x13: {  	s26 =	simm.s32 $0x4;
	[dreg:$0x4] =	wrdreg s25;
	s25 =	simm.s32 $0x5  }
.LBB2_1:
0x14: {  	s0 =	rddreg [dreg:$0x3]  }
0x15: {  	[tilespmem:s2], [sflag:$0x9] =	stream.linear.gather [hbm4b:s0+s2], $0x6400, $0x38;
	[tilespmem:$0x1A400] =	vst v63  }
0x16: {  	_ =	swait.ge [sflag:s14], $0x6400  }
0x17: {  	[sflag:s14] =	ssyncset.done $0x0  }
0x18: {  	[sflag:s14] =	ssyncadd.s32 $0xFFFF9C00  }
0x19: {  	[tilespmem:s16], [sflag:$0x1] =	stream.indirect.gather [hbm4b:s3+s15], $0x40, s2, s15, $0xb8;
	[tilespmem:$0x1A400] =	vst v63  }
0x1a: {  	_ = 	snop  }
0x1b: {  	[tilespmem:s17], [sflag:$0x2] =	stream.indirect.gather [hbm4b:s3+s15], $0x40, s15, s15, $0xb8;
	[tilespmem:$0x1A400] =	vst v63  }
0x1c: {  	_ =	swait.ge [sflag:s18], $0x5000  }
0x1d: {  	[sflag:s18] =	ssyncset.done $0x0  }
0x1e: {  	[sflag:s18] =	ssyncadd.s32 $0xFFFFB000  }
0x1f: {  	[hbm4b:s5+s2] =	stream.linear.scatter [tilespmem:s16], [sflag:$0x5], $0x5000, $0x38;
	[tilespmem:$0x1A400] =	vst v63  }
0x20: {  	s1 =	simm.s32 $0x280  }
0x21: {  	[tilespmem:s20], [sflag:$0x3] =	stream.indirect.gather [hbm4b:s3+s15], $0x40, s1, s15, $0xb8;
	[tilespmem:$0x1A400] =	vst v63  }
0x22: {  	_ =	swait.ge [sflag:s21], $0x5000  }
0x23: {  	[sflag:s21] =	ssyncset.done $0x0  }
0x24: {  	s4 =	rddreg [dreg:$0x4];
	[sflag:s21] =	ssyncadd.s32 $0xFFFFB000  }
0x25: {  	[hbm4b:s4+s2] =	stream.linear.scatter [tilespmem:s17], [sflag:$0x6], $0x5000, $0x38;
	[tilespmem:$0x1A400] =	vst v63  }
0x26: {  	s6 =	simm.s32 $0x3C0  }
0x27: {  	[tilespmem:s23], [sflag:$0x4] =	stream.indirect.gather [hbm4b:s3+s15], $0x40, s6, s15, $0xb8;
	[tilespmem:$0x1A400] =	vst v63  }
0x28: {  	_ =	swait.ge [sflag:s24], $0x5000  }
0x29: {  	[sflag:s24] =	ssyncset.done $0x0  }
0x2a: {  	[sflag:s24] =	ssyncadd.s32 $0xFFFFB000  }
0x2b: {  	[hbm4b:s11+s2] =	stream.linear.scatter [tilespmem:s20], [sflag:$0x7], $0x5000, $0x38;
	[tilespmem:$0x1A400] =	vst v63  }
0x2c: {  	_ =	swait.ge [sflag:s25], $0x5000  }
0x2d: {  	[sflag:s25] =	ssyncset.done $0x0  }
0x2e: {  	s7 =	simm.s32 $0x500;
	[sflag:s25] =	ssyncadd.s32 $0xFFFFB000  }
0x2f: {  	[tilespmem:s16], [sflag:$0x1] =	stream.indirect.gather [hbm4b:s3+s15], $0x40, s7, s15, $0xb8;
	[tilespmem:$0x1A400] =	vst v63  }
0x30: {  	_ =	swait.ge [sflag:s26], $0x5000  }
0x31: {  	[sflag:s26] =	ssyncset.done $0x0  }
0x32: {  	[sflag:s26] =	ssyncadd.s32 $0xFFFFB000  }
0x33: {  	[hbm4b:s10+s2] =	stream.linear.scatter [tilespmem:s23], [sflag:$0x8], $0x5000, $0x38;
	[tilespmem:$0x1A400] =	vst v63  }
0x34: {  	_ =	swait.ge [sflag:s28], $0x5000  }
0x35: {  	[sflag:s28] =	ssyncset.done $0x0  }
0x36: {  	s19 =	simm.s32 $0x640;
	[sflag:s28] =	ssyncadd.s32 $0xFFFFB000  }
0x37: {  	[tilespmem:s17], [sflag:$0x2] =	stream.indirect.gather [hbm4b:s3+s15], $0x40, s19, s15, $0xb8;
	[tilespmem:$0x1A400] =	vst v63  }
0x38: {  	_ =	swait.ge [sflag:s18], $0x5000  }
0x39: {  	[sflag:s18] =	ssyncset.done $0x0  }
0x3a: {  	[sflag:s18] =	ssyncadd.s32 $0xFFFFB000  }
0x3b: {  	[hbm4b:s13+s2] =	stream.linear.scatter [tilespmem:s16], [sflag:$0x5], $0x5000, $0x38;
	[tilespmem:$0x1A400] =	vst v63  }
0x3c: {  	_ =	swait.ge [sflag:s29], $0x5000  }
0x3d: {  	[sflag:s29] =	ssyncset.done $0x0  }
0x3e: {  	s22 =	simm.s32 $0x780;
	[sflag:s29] =	ssyncadd.s32 $0xFFFFB000  }
0x3f: {  	[tilespmem:s20], [sflag:$0x3] =	stream.indirect.gather [hbm4b:s3+s15], $0x40, s22, s15, $0xb8;
	[tilespmem:$0x1A400] =	vst v63  }
0x40: {  	_ =	swait.ge [sflag:s21], $0x5000  }
0x41: {  	[sflag:s21] =	ssyncset.done $0x0  }
0x42: {  	[sflag:s21] =	ssyncadd.s32 $0xFFFFB000  }
0x43: {  	[hbm4b:s12+s2] =	stream.linear.scatter [tilespmem:s17], [sflag:$0x6], $0x5000, $0x38;
	[tilespmem:$0x1A400] =	vst v63  }
0x44: {  	s0 =	sadd.s32 $0x2800, s13;
	s1 =	simm.s32 $0x1400;
	_ =	swait.ge [sflag:s30], $0x5000  }
0x45: {  	s4 =	sadd.s32 $0x2800, s10;
	s6 =	simm.s32 $0x8C0;
	[sflag:s30] =	ssyncset.done $0x0  }
0x46: {  	s19 =	sadd.s32 $0x2800, s11;
	s22 =	sadd.s32 $0x2800, s12;
	[sflag:s30] =	ssyncadd.s32 $0xFFFFB000  }
.LBB2_2:
0x47: {  	[tilespmem:s23], [sflag:$0x4] =	stream.indirect.gather [hbm4b:s3+s15], $0x40, s6, s15, $0xb8;
	[tilespmem:$0x1A400] =	vst v63  }
0x48: {  	s6 =	smov.u32 s1  }
0x49: {  	p0 =	sne.s32 s1, $0x16800;
	s1 =	sadd.s32 $0x1400, s1;
	_ =	swait.ge [sflag:s24], $0x5000  }
0x4a: {  	[sflag:s24] =	ssyncset.done $0x0  }
0x4b: {  	[sflag:s24] =	ssyncadd.s32 $0xFFFFB000  }
0x4c: {  	[hbm4b:s19+s2] =	stream.linear.scatter [tilespmem:s20], [sflag:$0x7], $0x5000, $0x38;
	[tilespmem:$0x1A400] =	vst v63  }
0x4d: {  	_ =	swait.ge [sflag:s25], $0x5000  }
0x4e: {  	s6 =	sshra.s32 s6, $0x2;
	[sflag:s25] =	ssyncset.done $0x0  }
0x4f: {  	s7 =	sadd.s32 $0x500, s6;
	[sflag:s25] =	ssyncadd.s32 $0xFFFFB000  }
0x50: {  	[tilespmem:s16], [sflag:$0x1] =	stream.indirect.gather [hbm4b:s3+s15], $0x40, s7, s15, $0xb8;
	[tilespmem:$0x1A400] =	vst v63  }
0x51: {  	_ =	swait.ge [sflag:s26], $0x5000  }
0x52: {  	[sflag:s26] =	ssyncset.done $0x0  }
0x53: {  	[sflag:s26] =	ssyncadd.s32 $0xFFFFB000  }
0x54: {  	[hbm4b:s4+s2] =	stream.linear.scatter [tilespmem:s23], [sflag:$0x8], $0x5000, $0x38;
	[tilespmem:$0x1A400] =	vst v63  }
0x55: {  	_ =	swait.ge [sflag:s28], $0x5000  }
0x56: {  	[sflag:s28] =	ssyncset.done $0x0  }
0x57: {  	s7 =	sadd.s32 $0x640, s6;
	[sflag:s28] =	ssyncadd.s32 $0xFFFFB000  }
0x58: {  	[tilespmem:s17], [sflag:$0x2] =	stream.indirect.gather [hbm4b:s3+s15], $0x40, s7, s15, $0xb8;
	[tilespmem:$0x1A400] =	vst v63  }
0x59: {  	_ =	swait.ge [sflag:s18], $0x5000  }
0x5a: {  	[sflag:s18] =	ssyncset.done $0x0  }
0x5b: {  	[sflag:s18] =	ssyncadd.s32 $0xFFFFB000  }
0x5c: {  	[hbm4b:s0+s2] =	stream.linear.scatter [tilespmem:s16], [sflag:$0x5], $0x5000, $0x38;
	[tilespmem:$0x1A400] =	vst v63  }
0x5d: {  	_ =	swait.ge [sflag:s29], $0x5000  }
0x5e: {  	[sflag:s29] =	ssyncset.done $0x0  }
0x5f: {  	s7 =	sadd.s32 $0x780, s6;
	[sflag:s29] =	ssyncadd.s32 $0xFFFFB000  }
0x60: {  	[tilespmem:s20], [sflag:$0x3] =	stream.indirect.gather [hbm4b:s3+s15], $0x40, s7, s15, $0xb8;
	[tilespmem:$0x1A400] =	vst v63  }
0x61: {  	_ =	swait.ge [sflag:s21], $0x5000  }
0x62: {  	[sflag:s21] =	ssyncset.done $0x0  }
.Ltmp0:
0x63: {  	[sflag:s21] =	ssyncadd.s32 $0xFFFFB000;
	(pc) =	sbr.rel @p0 .LBB2_2-.Ltmp0, $4  }
0x64: {  	[hbm4b:s22+s2] =	stream.linear.scatter [tilespmem:s17], [sflag:$0x6], $0x5000, $0x38;
	[tilespmem:$0x1A400] =	vst v63  }
0x65: {  	s0 =	sadd.s32 $0x2800, s0;
	_ =	swait.ge [sflag:s30], $0x5000  }
0x66: {  	s19 =	sadd.s32 $0x2800, s19;
	s22 =	sadd.s32 $0x2800, s22;
	[sflag:s30] =	ssyncset.done $0x0  }
0x67: {  	s4 =	sadd.s32 $0x2800, s4;
	s6 =	sadd.s32 $0x8C0, s6;
	[sflag:s30] =	ssyncadd.s32 $0xFFFFB000  }
0x68: {  	[tilespmem:s23], [sflag:$0x4] =	stream.indirect.gather [hbm4b:s3+s15], $0x40, s6, s15, $0xb8;
	[tilespmem:$0x1A400] =	vst v63  }
0x69: {  	_ =	swait.ge [sflag:s24], $0x5000  }
0x6a: {  	[sflag:s24] =	ssyncset.done $0x0  }
0x6b: {  	s0 =	rddreg [dreg:$0x5];
	[sflag:s24] =	ssyncadd.s32 $0xFFFFB000  }
0x6c: {  	[hbm4b:s0+s2] =	stream.linear.scatter [tilespmem:s20], [sflag:$0x7], $0x5000, $0x38;
	[tilespmem:$0x1A400] =	vst v63  }
0x6d: {  	_ =	swait.ge [sflag:s26], $0x5000  }
0x6e: {  	[sflag:s26] =	ssyncset.done $0x0  }
0x6f: {  	[sflag:s26] =	ssyncadd.s32 $0xFFFFB000  }
0x70: {  	[hbm4b:s8+s2] =	stream.linear.scatter [tilespmem:s23], [sflag:$0x8], $0x5000, $0x38;
	[tilespmem:$0x1A400] =	vst v63  }
0x71: {  	_ =	swait.ge [sflag:s25], $0x5000  }
0x72: {  	[sflag:s25] =	ssyncset.done $0x0  }
0x73: {  	[sflag:s25] =	ssyncadd.s32 $0xFFFFB000  }
0x74: {  	_ =	swait.ge [sflag:s28], $0x5000  }
0x75: {  	[sflag:s28] =	ssyncset.done $0x0  }
0x76: {  	s31 =	sadd.s32 $0x1, s31;
	[sflag:s28] =	ssyncadd.s32 $0xFFFFB000  }
0x77: {  	p0 =	sne.s32 s31, s9;
	_ =	swait.ge [sflag:s29], $0x5000  }
.Ltmp1:
0x78: {  	[sflag:s29] =	ssyncset.done $0x0;
	(pc) =	sbr.rel @p0 .LBB2_1-.Ltmp1, $4  }
0x79: {  	[sflag:s29] =	ssyncadd.s32 $0xFFFFB000  }
0x7a: {  	_ =	swait.ge [sflag:s30], $0x5000  }
0x7b: {  	[sflag:s30] =	ssyncset.done $0x0  }
0x7c: {  	[sflag:s30] =	ssyncadd.s32 $0xFFFFB000  }
0x7d: {  	_ =	sfence.sel $0x180000  }
0x7e: {  	[bflag:$0x0] =	sbarrier.arrive $0xFFFF  }
0x7f: {  	_ =	strace $0x90000047  }
0x80: {  	s0 =	stileid.u32;
	[bflag:$0x2] =	sbarrier.arrive $0xFFFF  }
0x81: {  	p0 =	sne.s32 s0, $0x0;
	s0 =	rddreg [dreg:$0x2]  }
0x82: {  	s0 =	sadd.s32 @!p0 $0x100000, s0  }
0x83: {  	[sflag:s0] =	ssyncadd.tile.s32 @!p0 $0x1;
	_ =	shalt  }
.Lfunc_end2:
_tile_overlayer_lowered:
.L_overlay_start_2:
0x84: {  	(tag) =	ssettag $0x2  }
0x85: {  	s0 =	rddreg [dreg:$0x0];
	s2 =	stileid.u32  }
0x86: {  	s1 =	rddreg [dreg:$0x1];
	p0 =	sne.s32 s2, $0x0  }
0x87: {  	s3 =	rddreg [dreg:$0x2];
	[bflag:$0x3] =	sbarrier.arrive $0xFFFF;
	s2 =	simm.s32 @!p0 $0x1C09  }
0x88: {  	[timem:s3], [sflag:s2] =	dma.local @!p0 [hbm:s0], s1  }
0x89: {  	s0 =	simm.s32 @!p0 $0x9  }
0x8a: {  	_ =	swait.ge @!p0 [sflag:s0], s1  }
0x8b: {  	s1 =	ssub.s32 @!p0 $0x0, s1;
	[sflag:s0] =	ssyncset.done @!p0 $0x0  }
0x8c: {  	[sflag:s0] =	ssyncadd.s32 @!p0 s1  }
0x8d: {  	[bflag:$0x3] =	sbarrier.arrive $0xFFFF  }
0x8e: {  	_ =	shalt  }

// kernel: sparse-core-data-format-call.cloned.1.call-start
scs
called_computation_lowered:
.L_overlay_start_0:
0x0: {  	s2 =	sld [smem:$0x3FD9]  }
0x1: {  	s3 =	sld [smem:$0x3FFE];
	_ =	sdelay $0x1  }
0x2: {  	s1 =	srdreg.scid  }
0x3: {  	s0 =	sand.u32 $0x1, s1  }
0x4: {  	s18 =	sshll.u32 s0, $0xA;
	s2 =	sadd.s32 s3, s2  }
0x5: {  	s2 =	sadd.s32 s2, s18  }
0x6: {  	[smem:$0x3FC6] =	sst s2  }
0x7: {  	_ = 	snop  }
0x8: {  	s2 =	sld [smem:$0x3FD0];
	(tm) =	ssettm $0x1  }
0x9: {  	s19 =	sld [smem:$0x3FFB];
	_ =	sdelay $0x3  }
0xa: {  	_ =	strace s19  }
0xb: {  	s3 =	sld [smem:$0x3FFC];
	_ =	sdelay $0x3  }
0xc: {  	_ =	strace s3  }
0xd: {  	s3 =	sld [smem:$0x3FFD];
	_ =	sdelay $0x3  }
0xe: {  	_ =	strace s3  }
0xf: {  	_ =	strace $0x8FFFFFFF  }
0x10: {  	s20 =	sld [smem:$0x3FDB];
	_ =	sdelay $0x1  }
0x11: {  	s4 =	simm.s32 $_scs_section_size  }
0x12: {  	s5 =	simm.s32 $_size__tile_overlayer_lowered;
	s6 =	simm.s32 $_tile_overlayer_lowered  }
0x13: {  	s23 =	simm.s32 $0x1BFF;
	s22 =	sshll.u32 s6, $0x1;
	s3 =	sadd.s32 s4, s20  }
0x14: {  	s7 =	simm.s32 $0x0;
	s21 =	sshll.u32 s5, $0x1;
	s5 =	sadd.s32 s22, s3  }
0x15: {  	[timem:s7], [sflag:s23] =	dma.local [hbm:s5], s21  }
0x16: {  	_ =	swait.ge [sflag:s23], s21  }
0x17: {  	s4 =	ssub.s32 $0x0, s21;
	[sflag:s23] =	ssyncset.done $0x0  }
0x18: {  	[sflag:s23] =	ssyncadd.s32 s4;
	_ =	sdelay $0x1  }
0x19: {  	s24 =	simm.s32 $0x1B8B  }
0x1a: {  	_ =	swait.ge [sflag:s24], $0x1  }
0x1b: {  	[sflag:s24] =	ssyncset.done $0x0  }
0x1c: {  	s26 =	simm.s32 $0x1B8E;
	s25 =	sld [smem:$0x3FFE];
	[sflag:s24] =	ssyncadd.s32 $0xFFFFFFFF  }
0x1d: {  	s27 =	simm.s32 $execute0_lowered;
	[smem:$0x3FD2] =	sst s26  }
0x1e: {  	s5 =	sshll.u32 s27, $0x1;
	_ =	strace $0x80000049;
	[dreg:$0x1] =	wrdreg $0xFFFFFFFF  }
0x1f: {  	s28 =	simm.s32 $_size_execute0_lowered;
	s3 =	sadd.s32 s3, s5;
	[dreg:$0x0] =	wrdreg $0x0  }
0x20: {  	s5 =	sshll.u32 s28, $0x1;
	[dreg:$0x2] =	wrdreg s3  }
0x21: {  	[dreg:$0x3] =	wrdreg s5  }
0x22: {  	[dreg:$0x4] =	wrdreg $0xC0  }
0x23: {  	_ =	task [dreg:s7], $0x5FFFF  }
0x24: {  	[dreg:$0x1] =	wrdreg $0xFFFFFFFF  }
0x25: {  	[dreg:$0x0] =	wrdreg $0x60  }
0x26: {  	[dreg:$0x2] =	wrdreg s25  }
0x27: {  	[dreg:$0x3] =	wrdreg s2  }
0x28: {  	[dreg:$0x4] =	wrdreg $0x9  }
0x29: {  	_ =	task.clear_ibuf [dreg:s7], $0x5FFFF;
	_ =	strace $0x90000049  }
0x2a: {  	s29 =	simm.s32 $0x9;
	_ =	strace $0x8000004B  }
0x2b: {  	_ =	swait.ge [sflag:s29], $0x1  }
0x2c: {  	[sflag:s29] =	ssyncadd.s32 $0xFFFFFFFF  }
0x2d: {  	_ =	strace $0x9000004B  }
0x2e: {  	_ =	sfence  }
0x2f: {  	s30 =	sld [smem:$0x0];
	_ =	sdelay $0x2  }
0x30: {  	s31 =	sshll.u32 s1, $0xD;
	s1 =	sshrl.u32 s1, $0x2  }
0x31: {  	s3 =	sand.u32 $0x4000, s31;
	s1 =	sadd.s32 s1, s30  }
0x32: {  	s0 =	sor.u32 s3, s0;
	s1 =	sshll.u32 s1, $0x11  }
0x33: {  	s0 =	sor.u32 s1, s0  }
0x34: {  	s0 =	sadd.s32 $0x8F2B, s0  }
0x35: {  	[sflag:s0] =	ssyncadd.remote.s32 $0x1  }
0x36: {  	_ =	sfence.sel $0xFFFF  }
0x37: {  	[dreg:$0x0] =	wrdreg $0xFFFFFFFF;
	(pc) =	sbr.abs _section_cstart, $3  }
0x38: {  	[dreg:$0x1] =	wrdreg $0xFFFFFFFF  }
0x39: {  	_ =	task.clear_ibuf [dreg:s7], $0x2FFFF;
	_ =	strace $0x9FFFFFFF  }
0x3a: {  	(tm) =	ssettm $0x7FFFFFFF  }
0x3b: {  	_ =	shalt  }
tec
execute0_lowered:
.L_overlay_start_1:
0x0: {  	(tag) =	ssettag $0x1  }
0x1: {  	s0 =	srdreg.scid  }
0x2: {  	s1 =	sshll.u32 s0, $0x4  }
0x3: {  	s0 =	stileid.u32;
	s1 =	sand.u32 $0x10, s1  }
0x4: {  	s1 =	sor.u32 s0, s1  }
0x5: {  	s6 =	rddreg [dreg:$0x0];
	s4 =	simm.s32 $0x1;
	s2 =	sshll.u32 s1, $0x7  }
0x6: {  	s7 =	simm.s32 $0x2;
	s12 =	simm.s32 $0x0;
	s1 =	ssub.s32 $0x4000, s2  }
0x7: {  	s8 =	simm.s32 $0x20000;
	s13 =	simm.s32 $0x0;
	s3 =	sand.u32 $0xF80, s1  }
0x8: {  	s9 =	simm.s32 $0x0;
	s5 =	sshrl.u32 s1, $0xC;
	p0 =	sne.s32 s3, $0x0  }
.Ltmp0:
0x9: {  	s1 =	rddreg [dreg:$0x2];
	s4 =	simm.s32 @!p0 $0x0;
	(pc) =	sbr.rel .LBB1_1-.Ltmp0, $4  }
0xa: {  	s11 =	simm.s32 $0x0;
	s3 =	rddreg [dreg:$0x1];
	s5 =	sadd.s32 s4, s5  }
0xb: {  	_ =	strace $0x8000004A;
	s4 =	simm.s32 $0x1;
	s5 =	smul.u32 $0x32, s5  }
0xc: {  	s6 =	sadd.s32 $0xA00, s6;
	s10 =	smov.u32 s2;
	[sflag:s4] =	ssyncpa.u1 $0x0  }
0xd: {  	p0 =	por $0x0, $0x0;
	[sflag:s7] =	ssyncpa.u1 $0x0;
	s7 =	sor.u32 $0x1, s5  }
.LBB1_4:
0xe: {  	s16 =	sshll.u32 s13, $0x3;
	s17 =	sand.u32 $0x78, s13  }
0xf: {  	s30 =	sand.u32 $0x1F800, s13;
	s12 =	sshll.u32 s12, $0x11;
	s16 =	sand.u32 $0x3C00, s16  }
0x10: {  	[tilespmem:s15+$0x810 ss:$0x81] =	vst.msk $0xffff, v2;
	s31 =	sand.u32 $0x7, s13;
	s16 =	sor.u32 s17, s16;
	s17 =	sadd.s32 s3, s30  }
0x11: {  	[tilespmem:s15+$0x1020 ss:$0x81] =	vst.msk $0xffff, v0;
	s13 =	sshll.u32 s31, $0x12;
	s12 =	sadd.s32 s12, s17;
	s16 =	sshrl.u32 s16, $0x3  }
0x12: {  	[tilespmem:s15+$0x0 ss:$0x81] =	vst.msk $0xffff, v1;
	s13 =	sor.u32 $0x400, s13;
	s12 =	sadd.s32 s16, s12  }
0x13: {  	[hbm4b:s12+s13] =	stream.strided.scatter [tilespmem:s14], [sflag:$0x2], $0x2000, s8, s13, $0x20;
	[tilespmem:$0x8080] =	vst v63  }
.LBB1_5:
0x14: {  	s14 =	sadd.s32 $0x1, s9  }
0x15: {  	s12 =	sadd.s32 $0x1000, s10;
	s16 =	smov.u32 s10;
	p2 =	sgt.s32 s14, $0x31  }
0x16: {  	s16 =	smov.u32 @p2 s12  }
0x17: {  	s14 =	simm.s32 @p2 $0x0;
	p2 =	sgt.s32 s16, $0x3FFF  }
0x18: {  	s16 =	smov.u32 @p2 s2;
	p2 =	sne.s32 s11, s7  }
.Ltmp1:
0x19: {  	p1 =	slt.u32 s11, $0x2;
	(pc) =	sbr.rel @!p2 .LBB1_6-.Ltmp1, $4  }
0x1a: {  	s15 =	simm.s32 @!p1 $0x2  }
0x1b: {  	s13 =	smov.u32 s10;
	p0 =	por !p0, !p0;
	_ =	swait.ge @!p1 [sflag:s15], $0x2000  }
0x1c: {  	s12 =	smov.u32 s9;
	[sflag:s15] =	ssyncset.done @!p1 $0x0;
	s9 =	smov.u32 s14  }
0x1d: {  	s11 =	sadd.s32 $0x1, s11;
	[sflag:s15] =	ssyncadd.s32 @!p1 $0xFFFFE000;
	s10 =	smov.u32 s16  }
.LBB1_1:
0x1e: {  	p1 =	sge.u32 s11, s5  }
0x1f: {  	s14 =	sand.u32 @!p1 $0x1FFFFFF, s9  }
0x20: {  	s15 =	smulhi.u32 @!p1 $0x4924925, s14;
	_ =	sdelay $0x1  }
0x21: {  	s15 =	smul.u32 @!p1 $0x38, s15  }
0x22: {  	s16 =	sxor.u32 @!p1 $0xFFFFFFFF, s11;
	s17 =	smul.u32 @!p1 $0x380, s10  }
0x23: {  	s31 =	sadd.s32 $0xFFFFFFFF, s11;
	s16 =	sshll.u32 @!p1 s16, $0xD;
	s14 =	ssub.s32 @!p1 s14, s15  }
0x24: {  	s15 =	sand.u32 @!p1 $0x2000, s16;
	s16 =	sadd.s32 @!p1 s6, s17;
	s14 =	sshll.u32 @!p1 s14, $0x4  }
0x25: {  	s17 =	simm.s32 @!p1 $0x1C00;
	s14 =	sadd.s32 @!p1 s14, s16;
	s16 =	simm.s32 @!p1 $0x40  }
0x26: {  	[tilespmem:s15], [sflag:$0x1] =	stream.strided.gather @!p1 [hbm4b:s14+s16], $0x2000, s17, s16, $0x38;
	[tilespmem:$0x8080] =	vst v63  }
0x27: {  	p1 =	sge.u32 s31, s5  }
.Ltmp2:
0x28: {  	_ = 	snop;
	(pc) =	sbr.rel @p1 .LBB1_5-.Ltmp2, $1  }
0x29: {  	_ =	sdelay $0x3  }
0x2a: {  	s14 =	simm.s32 $0x1  }
0x2b: {  	_ =	swait.ge [sflag:s4], $0x2000;
	s14 =	simm.s32 @!p0 $0x0  }
0x2c: {  	[sflag:s4] =	ssyncset.done $0x0;
	s15 =	sshll.u32 s14, $0xD  }
0x2d: {  	[sflag:s4] =	ssyncadd.s32 $0xFFFFE000;
	s18 =	sor.u32 $0x20, s15  }
0x2e: {  	s14 =	smul.u32 $0x8100, s14;
	v3 =	vld [tilespmem:s18+$0x10]  }
0x2f: {  	s30 =	sand.u32 $0x1, s11;
	v2 =	vld [tilespmem:s18+$0xFFFFFFF0]  }
0x30: {  	s15 =	smul.u32 $0x8100, s30;
	s14 =	sshrl.u32 s14, $0x2;
	v0 =	vld [tilespmem:s18+$0x0]  }
0x31: {  	v1 =	vld [tilespmem:s18+$0xFFFFFFE0];
	s16 =	sor.u32 $0x4000, s14  }
0x32: {  	s31 =	sshrl.u32 s15, $0x2;
	s15 =	sadd.s32 $0x0, s16  }
0x33: {  	s17 =	simm.s32 $0x4;
	s18 =	sadd.s32 $0x40, s18;
	s14 =	sor.u32 $0x4000, s31;
	[tilespmem:s15+$0x1830 ss:$0x81] =	vst.msk $0xffff, v3  }
.LBB1_3:
0x34: {  	v3 =	vld [tilespmem:s18+$0x10];
	p1 =	sne.s32 s17, $0x1FC;
	[tilespmem:s15+$0x810 ss:$0x81] =	vst.msk $0xffff, v2;
	s19 =	smov.u32 s17;
	s17 =	sadd.s32 $0x4, s17  }
.Ltmp3:
0x35: {  	v2 =	vld [tilespmem:s18+$0xFFFFFFF0];
	[tilespmem:s15+$0x1020 ss:$0x81] =	vst.msk $0xffff, v0;
	(pc) =	sbr.rel @p1 .LBB1_3-.Ltmp3, $4  }
0x36: {  	v0 =	vld [tilespmem:s18+$0x0];
	[tilespmem:s15+$0x0 ss:$0x81] =	vst.msk $0xffff, v1  }
0x37: {  	s15 =	sshra.s32 s19, $0x2;
	v1 =	vld [tilespmem:s18+$0xFFFFFFE0]  }
0x38: {  	s15 =	sadd.s32 s15, s16  }
0x39: {  	s18 =	sadd.s32 $0x40, s18;
	[tilespmem:s15+$0x1830 ss:$0x81] =	vst.msk $0xffff, v3  }
.Ltmp4:
0x3a: {  	_ = 	snop;
	(pc) =	sbr.rel .LBB1_4-.Ltmp4, $1  }
0x3b: {  	_ =	sdelay $0x3  }
.LBB1_6:
0x3c: {  	_ =	sfence.sel $0x180000  }
0x3d: {  	s2 =	simm.s32 $0x1;
	[bflag:$0x0] =	sbarrier.arrive $0xFFFF  }
0x3e: {  	s31 =	simm.s32 $0x2;
	[sflag:s2] =	ssyncpa.u1 $0x1  }
0x3f: {  	[sflag:s31] =	ssyncpa.u1 $0x1  }
0x40: {  	p0 =	sne.s32 s0, $0x0;
	_ =	strace $0x9000004A  }
0x41: {  	s0 =	sadd.s32 @!p0 $0x100000, s1;
	[bflag:$0x2] =	sbarrier.arrive $0xFFFF  }
0x42: {  	[sflag:s0] =	ssyncadd.tile.s32 @!p0 $0x1;
	_ =	shalt  }
.Lfunc_end1:
_tile_overlayer_lowered:
.L_overlay_start_2:
0x43: {  	(tag) =	ssettag $0x2  }
0x44: {  	s0 =	rddreg [dreg:$0x0];
	s2 =	stileid.u32  }
0x45: {  	s1 =	rddreg [dreg:$0x1];
	p0 =	sne.s32 s2, $0x0  }
0x46: {  	s3 =	rddreg [dreg:$0x2];
	[bflag:$0x3] =	sbarrier.arrive $0xFFFF;
	s2 =	simm.s32 @!p0 $0x1C01  }
0x47: {  	[timem:s3], [sflag:s2] =	dma.local @!p0 [hbm:s0], s1  }
0x48: {  	s0 =	simm.s32 @!p0 $0x1  }
0x49: {  	_ =	swait.ge @!p0 [sflag:s0], s1  }
0x4a: {  	s1 =	ssub.s32 @!p0 $0x0, s1;
	[sflag:s0] =	ssyncset.done @!p0 $0x0  }
0x4b: {  	[sflag:s0] =	ssyncadd.s32 @!p0 s1  }
0x4c: {  	[bflag:$0x3] =	sbarrier.arrive $0xFFFF  }
0x4d: {  	_ =	shalt  }

</sc_bundles>
